<compile_context>
chip_gen: v7x
topology: tpu7x:2x2x1
jax: 0.10.2.dev20260603
libtpu: 0.0.44.dev20260713+nightly
codegen_flags: <defaults>
</compile_context>

<pallas_src>
import jax
import jax.numpy as jnp
from jax import lax
from jax.experimental import pallas as pl
from jax.experimental.pallas import tpu as pltpu
from jax.experimental.pallas import tpu_sc as plsc

_NUM_EMBEDDINGS = 8192
_EMBEDDING_DIM = 256
_COMMITMENT_COST = 0.25
_M = 16384
_BM = 256
_NSTEPS = _M // _BM
_CB = (0, 2736, 5472, _NUM_EMBEDDINGS)

_NC = 2
_NS = 16
_NW = _NC * _NS
_B_PER_W = _M // _NW
_CHUNK = 128
_NCHUNK = _B_PER_W // _CHUNK


def _rowsum_sq(v):
    t = v * v
    s = t[:, :128] + t[:, 128:]
    a = s[:, 0:8]
    for g in range(1, 16):
        a = a + s[:, 8 * g:8 * g + 8]
    a = a[:, 0:4] + a[:, 4:8]
    a = a[:, 0:2] + a[:, 2:4]
    a = a[:, 0:1] + a[:, 1:2]
    return a


def _bf16_round(v):
    return v.astype(jnp.bfloat16).astype(jnp.float32)


def _es_body(e_ref, es_ref):
    es_ref[...] = _rowsum_sq(e_ref[...])


_es_call = pl.pallas_call(
    _es_body,
    grid=(8,),
    in_specs=[pl.BlockSpec((_NUM_EMBEDDINGS // 8, _EMBEDDING_DIM),
                           lambda i: (i, 0))],
    out_specs=pl.BlockSpec((_NUM_EMBEDDINGS // 8, 1), lambda i: (i, 0)),
    out_shape=jax.ShapeDtypeStruct((_NUM_EMBEDDINGS, 1), jnp.float32),
)


def _vq_tc_body(x_ref, e_ref, es_ref, idx_ref, enc_ref, loss_ref, perp_ref,
                iota3_ref, idxv_ref, counts_ref, lacc_ref):
    i = pl.program_id(0)

    @pl.when(i == 0)
    def _init():
        iota1 = lax.broadcasted_iota(jnp.int32, (1, _NUM_EMBEDDINGS), 1)
        cid = ((iota1 >= _CB[1]).astype(jnp.int32)
               + (iota1 >= _CB[2]).astype(jnp.int32))
        iota3_ref[...] = (iota1 + cid * _NUM_EMBEDDINGS).astype(jnp.float32)
        counts_ref[...] = jnp.zeros_like(counts_ref)
        lacc_ref[...] = jnp.zeros_like(lacc_ref)

    x = x_ref[...]
    xs = _rowsum_sq(x)
    es = es_ref[...]
    mm2 = lax.dot_general(x * jnp.float32(-2.0), e_ref[...],
                          (((1,), (1,)), ((), ())),
                          preferred_element_type=jnp.float32)
    d = (xs + es) + mm2

    def _fold(t0, t1):
        n = t1 - t0
        if n == 1:
            return d[:, t0 * 128:(t0 + 1) * 128]
        h = 1 << (n.bit_length() - 1)
        if h == n:
            h //= 2
        return jnp.minimum(_fold(t0, t0 + h), _fold(t0 + h, t1))
    def _lmin(v):
        return jnp.min(v, axis=1, keepdims=True)
    def _pmin(lo, width):
        return jnp.min(d[:, lo:lo + width], axis=1, keepdims=True)
    m0 = jnp.minimum(_lmin(_fold(0, 21)), _pmin(2688, 48))
    m1 = jnp.minimum(jnp.minimum(_pmin(2736, 80), _lmin(_fold(22, 42))),
                     _pmin(5376, 96))
    m2 = jnp.minimum(_pmin(5472, 32), _lmin(_fold(43, 64)))
    a_v = _bf16_round(m0)
    a_d = m0
    a_c = jnp.zeros_like(m0, dtype=jnp.int32)
    take1 = m1 < a_v
    a_v = jnp.where(take1, _bf16_round(m1), a_v)
    a_d = jnp.where(take1, m1, a_d)
    a_c = jnp.where(take1, 1, a_c)
    take2 = m2 < a_v
    a_d = jnp.where(take2, m2, a_d)
    a_c = jnp.where(take2, 2, a_c)

    cand = jnp.where(d == a_d, iota3_ref[...], jnp.float32(1e9))
    v = jnp.min(cand, axis=1, keepdims=True)
    idxv_ref[...] = v.astype(jnp.int32) - a_c * _NUM_EMBEDDINGS

    @pl.when(jnp.any(idxv_ref[...] < 0))
    def _slow():
        iota_p = lax.broadcasted_iota(jnp.int32, (_BM, _NUM_EMBEDDINGS), 1)
        cid = ((iota_p >= _CB[1]).astype(jnp.int32)
               + (iota_p >= _CB[2]).astype(jnp.int32))
        sel = (cid == a_c) & (d == a_d)
        idxv_ref[...] = jnp.min(
            jnp.where(sel, iota_p, _NUM_EMBEDDINGS), axis=1, keepdims=True)

    idx = idxv_ref[...][:, 0]
    iota = lax.broadcasted_iota(jnp.int32, (_BM, _NUM_EMBEDDINGS), 1)
    enc = (iota == idx[:, None]).astype(jnp.float32)
    idx_ref[...] = jnp.transpose(idxv_ref[...])[None]
    enc_ref[...] = enc
    counts_ref[...] += jnp.sum(enc, axis=0, keepdims=True)
    lacc_ref[...] += a_d

    @pl.when(i == _NSTEPS - 1)
    def _fin():
        loss_ref[...] = jnp.broadcast_to(
            jnp.sum(lacc_ref[...]) * (_COMMITMENT_COST / (_M * _EMBEDDING_DIM)),
            (1, 1))
        p = counts_ref[...] * (1.0 / _M)
        ent = -jnp.sum(p * jnp.log(p + 1e-10))
        perp_ref[...] = jnp.broadcast_to(jnp.exp(ent), (1, 1))


_vq_tc = pl.pallas_call(
    _vq_tc_body,
    grid=(_NSTEPS,),
    in_specs=[
        pl.BlockSpec((_BM, _EMBEDDING_DIM), lambda i: (i, 0)),
        pl.BlockSpec((_NUM_EMBEDDINGS, _EMBEDDING_DIM), lambda i: (0, 0)),
        pl.BlockSpec((1, _NUM_EMBEDDINGS), lambda i: (0, 0)),
    ],
    out_specs=[
        pl.BlockSpec((1, 1, _BM), lambda i: (i, 0, 0)),
        pl.BlockSpec((_BM, _NUM_EMBEDDINGS), lambda i: (i, 0)),
        pl.BlockSpec((1, 1), lambda i: (0, 0)),
        pl.BlockSpec((1, 1), lambda i: (0, 0)),
    ],
    out_shape=[
        jax.ShapeDtypeStruct((_NSTEPS, 1, _BM), jnp.int32),
        jax.ShapeDtypeStruct((_M, _NUM_EMBEDDINGS), jnp.float32),
        jax.ShapeDtypeStruct((1, 1), jnp.float32),
        jax.ShapeDtypeStruct((1, 1), jnp.float32),
    ],
    scratch_shapes=[
        pltpu.VMEM((1, _NUM_EMBEDDINGS), jnp.float32),
        pltpu.VMEM((_BM, 1), jnp.int32),
        pltpu.VMEM((1, _NUM_EMBEDDINGS), jnp.float32),
        pltpu.VMEM((_BM, 1), jnp.float32),
    ],
)


def _sc_gather_body(e_hbm, idx_hbm, out_hbm, idx_v, rows_v, sem):
    wid = lax.axis_index("s") * _NC + lax.axis_index("c")
    base = wid * _B_PER_W
    for c in range(_NCHUNK):
        off = base + c * _CHUNK
        pltpu.sync_copy(idx_hbm.at[pl.ds(off, _CHUNK)], idx_v)
        pltpu.async_copy(e_hbm.at[idx_v], rows_v, sem).wait()
        pltpu.sync_copy(rows_v, out_hbm.at[pl.ds(off, _CHUNK)])


def _sc_gather(embedding_weight, idx_flat):
    call = pl.kernel(
        _sc_gather_body,
        out_type=jax.ShapeDtypeStruct((_M, _EMBEDDING_DIM), jnp.float32),
        mesh=plsc.VectorSubcoreMesh(core_axis_name="c", subcore_axis_name="s",
                                    num_cores=_NC, num_subcores=_NS),
        scratch_types=[
            pltpu.VMEM((_CHUNK,), jnp.int32),
            pltpu.VMEM((_CHUNK, _EMBEDDING_DIM), jnp.float32),
            pltpu.SemaphoreType.DMA,
        ],
    )
    return call(embedding_weight, idx_flat)


def kernel(inputs, embedding_weight):
    input_shape = inputs.shape
    flat_input = inputs.reshape(-1, _EMBEDDING_DIM)
    es_row = _es_call(embedding_weight).reshape(1, _NUM_EMBEDDINGS)
    idx2d, encodings, loss, perp = _vq_tc(flat_input, embedding_weight, es_row)
    idx_flat = idx2d.reshape(_M)
    quantized = _sc_gather(embedding_weight, idx_flat)
    quantized_st = quantized.reshape(input_shape)
    quantized_ind = idx_flat.reshape(input_shape[:-1])
    return (loss.reshape(()), quantized_st, quantized_ind,
            perp.reshape(()), encodings)

# --- scband reference (transcript-rebuilt; emitter-appended) ---
"""Pipeline reference for scband-vector-quantizer-ema-11862699671582 (READ-ONLY COPY).

The authoritative reference and input builder live on the scoring server;
editing this copy changes nothing except your own understanding.
"""

import jax, jax.numpy as jnp
import numpy as np

NUM_EMBEDDINGS = 8192
EMBEDDING_DIM = 256
COMMITMENT_COST = 0.25

def setup_inputs(seed: int = 0) -> dict:
    key = jax.random.key(seed)
    k1, k2 = jax.random.split(key)
    inputs = jax.random.normal(k1, (16, 1024, 256), dtype=jnp.float32)
    embedding_weight = jax.random.normal(k2, (NUM_EMBEDDINGS, EMBEDDING_DIM), dtype=jnp.float32)
    return {"inputs": inputs, "embedding_weight": embedding_weight}

def reference(inputs, embedding_weight):
    # eval-mode forward of VectorQuantizerEMA (no EMA buffer updates, no kmeans reset)
    input_shape = inputs.shape
    flat_input = inputs.reshape(-1, EMBEDDING_DIM)
    distances = (jnp.sum(flat_input ** 2, axis=1, keepdims=True)
                 + jnp.sum(embedding_weight ** 2, axis=1)
                 - 2.0 * jnp.matmul(flat_input, embedding_weight.T))
    encoding_indices = jnp.argmin(distances, axis=1)
    encodings = jax.nn.one_hot(encoding_indices, NUM_EMBEDDINGS, dtype=jnp.float32)
    quantized = jnp.matmul(encodings, embedding_weight).reshape(input_shape)
    quantized_ind = encoding_indices.reshape(input_shape[:-1])
    e_latent_loss = jnp.mean((jax.lax.stop_gradient(quantized) - inputs) ** 2)
    loss = COMMITMENT_COST * e_latent_loss
    quantized_st = inputs + jax.lax.stop_gradient(quantized - inputs)
    avg_probs = jnp.mean(encodings, axis=0)
    perplexity = jnp.exp(-jnp.sum(avg_probs * jnp.log(avg_probs + 1e-10)))
    return (loss, quantized_st, quantized_ind, perplexity, encodings)

if __name__ == "__main__":
    import jax
    _d = setup_inputs()
    print(jax.jit(kernel)(*tuple(_d.values())))

</pallas_src>

<mosaic_0001>
#map = affine_map<(d0, d1) -> (0, 0)>
#map1 = affine_map<(d0, d1) -> (0)>
module attributes {stable_mosaic.version = 14 : i64} {
  func.func @_sc_gather_body(%arg0: i32, %arg1: i32, %arg2: memref<8192x256xf32, #tpu.memory_space<hbm>>, %arg3: memref<16384xi32, #tpu.memory_space<hbm>>, %arg4: memref<16384x256xf32, #tpu.memory_space<hbm>>, %arg5: memref<128xi32, #tpu.memory_space<vmem>>, %arg6: memref<128x256xf32, #tpu.memory_space<vmem>>, %arg7: memref<!tpu.dma_semaphore, #tpu.memory_space<semaphore_mem>>) attributes {dimension_semantics = [#tpu.dimension_semantics<core_parallel>, #tpu.dimension_semantics<subcore_parallel>], iteration_bounds = array<i64: 2, 16>, scalar_prefetch = 0 : i64, scratch_operands = 3 : i64, tpu.core_type = #tpu.core_type<sc_vector_subcore>, window_params = [{transform_indices = #map}, {transform_indices = #map1}, {transform_indices = #map}]} {
    %mul3A = arith.constant 2 : i32
    %mul3A_0 = arith.muli %arg1, %mul3A : i32
    %add3A = arith.addi %mul3A_0, %arg0 : i32
    %mul3A_1 = arith.constant 512 : i32
    %mul3A_2 = arith.muli %add3A, %mul3A_1 : i32
    %add3A_3 = arith.constant 0 : i32
    %add3A_4 = arith.addi %mul3A_2, %add3A_3 : i32
    "tpu.region"() ({
      %run_scoped3A = tpu.sem_alloc : memref<!tpu.dma_semaphore, #tpu.memory_space<semaphore_mem>>
      %dma_start3A_33 = tpu.memref_slice %arg3[%add3A_4] : memref<16384xi32, #tpu.memory_space<hbm>> -> memref<128xi32, #tpu.memory_space<hbm>>
      %dma_start3A_34 = tpu.memref_slice %arg3[%add3A_4] : memref<16384xi32, #tpu.memory_space<hbm>> -> memref<128xi32, #tpu.memory_space<hbm>>
      tpu.enqueue_dma source(%dma_start3A_34 : memref<128xi32, #tpu.memory_space<hbm>>) target(%arg5 : memref<128xi32, #tpu.memory_space<vmem>>) target_semaphore(%run_scoped3A : memref<!tpu.dma_semaphore, #tpu.memory_space<semaphore_mem>>)
      %dma_wait3A_35 = tpu.memref_slice %arg3[%add3A_4] : memref<16384xi32, #tpu.memory_space<hbm>> -> memref<128xi32, #tpu.memory_space<hbm>>
      %dma_wait3A_36 = tpu.memref_slice %arg3[%add3A_4] : memref<16384xi32, #tpu.memory_space<hbm>> -> memref<128xi32, #tpu.memory_space<hbm>>
      tpu.wait_dma2 semaphore(%run_scoped3A : memref<!tpu.dma_semaphore, #tpu.memory_space<semaphore_mem>>) src(%dma_wait3A_36 : memref<128xi32, #tpu.memory_space<hbm>>) dst(%arg5 : memref<128xi32, #tpu.memory_space<vmem>>)
      tpu.yield
    }) : () -> ()
    %dma_start3A = arith.constant 0 : i32
    %dma_start3A_5 = arith.constant 0 : i32
    %dma_start3A_6 = tpu.memref_slice %arg2[%dma_start3A, %dma_start3A_5] : memref<8192x256xf32, #tpu.memory_space<hbm>> -> memref<8192x256xf32, #tpu.memory_space<hbm>>
    tpu.enqueue_indirect_dma source(%dma_start3A_6 : memref<8192x256xf32, #tpu.memory_space<hbm>>) target(%arg6 : memref<128x256xf32, #tpu.memory_space<vmem>>) offsets(%arg5 : memref<128xi32, #tpu.memory_space<vmem>>) semaphore(%arg7 : memref<!tpu.dma_semaphore, #tpu.memory_space<semaphore_mem>>)
    %dma_wait3A = arith.constant 0 : i32
    %dma_wait3A_7 = arith.constant 0 : i32
    %dma_wait3A_8 = tpu.memref_slice %arg2[%dma_wait3A, %dma_wait3A_7] : memref<8192x256xf32, #tpu.memory_space<hbm>> -> memref<8192x256xf32, #tpu.memory_space<hbm>>
    tpu.wait_indirect_dma semaphore(%arg7 : memref<!tpu.dma_semaphore, #tpu.memory_space<semaphore_mem>>) src(%dma_wait3A_8 : memref<8192x256xf32, #tpu.memory_space<hbm>>) dst(%arg6 : memref<128x256xf32, #tpu.memory_space<vmem>>)
    "tpu.region"() ({
      %run_scoped3A = tpu.sem_alloc : memref<!tpu.dma_semaphore, #tpu.memory_space<semaphore_mem>>
      %dma_start3A_33 = arith.constant 0 : i32
      %dma_start3A_34 = tpu.memref_slice %arg4[%add3A_4, %dma_start3A_33] : memref<16384x256xf32, #tpu.memory_space<hbm>> -> memref<128x256xf32, #tpu.memory_space<hbm>>
      %dma_start3A_35 = arith.constant 0 : i32
      %dma_start3A_36 = tpu.memref_slice %arg4[%add3A_4, %dma_start3A_35] : memref<16384x256xf32, #tpu.memory_space<hbm>> -> memref<128x256xf32, #tpu.memory_space<hbm>>
      tpu.enqueue_dma source(%arg6 : memref<128x256xf32, #tpu.memory_space<vmem>>) target(%dma_start3A_36 : memref<128x256xf32, #tpu.memory_space<hbm>>) target_semaphore(%run_scoped3A : memref<!tpu.dma_semaphore, #tpu.memory_space<semaphore_mem>>)
      %dma_wait3A_37 = arith.constant 0 : i32
      %dma_wait3A_38 = tpu.memref_slice %arg4[%add3A_4, %dma_wait3A_37] : memref<16384x256xf32, #tpu.memory_space<hbm>> -> memref<128x256xf32, #tpu.memory_space<hbm>>
      %dma_wait3A_39 = arith.constant 0 : i32
      %dma_wait3A_40 = tpu.memref_slice %arg4[%add3A_4, %dma_wait3A_39] : memref<16384x256xf32, #tpu.memory_space<hbm>> -> memref<128x256xf32, #tpu.memory_space<hbm>>
      tpu.wait_dma2 semaphore(%run_scoped3A : memref<!tpu.dma_semaphore, #tpu.memory_space<semaphore_mem>>) src(%arg6 : memref<128x256xf32, #tpu.memory_space<vmem>>) dst(%dma_wait3A_40 : memref<128x256xf32, #tpu.memory_space<hbm>>)
      tpu.yield
    }) : () -> ()
    %add3A_9 = arith.constant 128 : i32
    %add3A_10 = arith.addi %mul3A_2, %add3A_9 : i32
    "tpu.region"() ({
      %run_scoped3A = tpu.sem_alloc : memref<!tpu.dma_semaphore, #tpu.memory_space<semaphore_mem>>
      %dma_start3A_33 = tpu.memref_slice %arg3[%add3A_10] : memref<16384xi32, #tpu.memory_space<hbm>> -> memref<128xi32, #tpu.memory_space<hbm>>
      %dma_start3A_34 = tpu.memref_slice %arg3[%add3A_10] : memref<16384xi32, #tpu.memory_space<hbm>> -> memref<128xi32, #tpu.memory_space<hbm>>
      tpu.enqueue_dma source(%dma_start3A_34 : memref<128xi32, #tpu.memory_space<hbm>>) target(%arg5 : memref<128xi32, #tpu.memory_space<vmem>>) target_semaphore(%run_scoped3A : memref<!tpu.dma_semaphore, #tpu.memory_space<semaphore_mem>>)
      %dma_wait3A_35 = tpu.memref_slice %arg3[%add3A_10] : memref<16384xi32, #tpu.memory_space<hbm>> -> memref<128xi32, #tpu.memory_space<hbm>>
      %dma_wait3A_36 = tpu.memref_slice %arg3[%add3A_10] : memref<16384xi32, #tpu.memory_space<hbm>> -> memref<128xi32, #tpu.memory_space<hbm>>
      tpu.wait_dma2 semaphore(%run_scoped3A : memref<!tpu.dma_semaphore, #tpu.memory_space<semaphore_mem>>) src(%dma_wait3A_36 : memref<128xi32, #tpu.memory_space<hbm>>) dst(%arg5 : memref<128xi32, #tpu.memory_space<vmem>>)
      tpu.yield
    }) : () -> ()
    %dma_start3A_11 = arith.constant 0 : i32
    %dma_start3A_12 = arith.constant 0 : i32
    %dma_start3A_13 = tpu.memref_slice %arg2[%dma_start3A_11, %dma_start3A_12] : memref<8192x256xf32, #tpu.memory_space<hbm>> -> memref<8192x256xf32, #tpu.memory_space<hbm>>
    tpu.enqueue_indirect_dma source(%dma_start3A_13 : memref<8192x256xf32, #tpu.memory_space<hbm>>) target(%arg6 : memref<128x256xf32, #tpu.memory_space<vmem>>) offsets(%arg5 : memref<128xi32, #tpu.memory_space<vmem>>) semaphore(%arg7 : memref<!tpu.dma_semaphore, #tpu.memory_space<semaphore_mem>>)
    %dma_wait3A_14 = arith.constant 0 : i32
    %dma_wait3A_15 = arith.constant 0 : i32
    %dma_wait3A_16 = tpu.memref_slice %arg2[%dma_wait3A_14, %dma_wait3A_15] : memref<8192x256xf32, #tpu.memory_space<hbm>> -> memref<8192x256xf32, #tpu.memory_space<hbm>>
    tpu.wait_indirect_dma semaphore(%arg7 : memref<!tpu.dma_semaphore, #tpu.memory_space<semaphore_mem>>) src(%dma_wait3A_16 : memref<8192x256xf32, #tpu.memory_space<hbm>>) dst(%arg6 : memref<128x256xf32, #tpu.memory_space<vmem>>)
    "tpu.region"() ({
      %run_scoped3A = tpu.sem_alloc : memref<!tpu.dma_semaphore, #tpu.memory_space<semaphore_mem>>
      %dma_start3A_33 = arith.constant 0 : i32
      %dma_start3A_34 = tpu.memref_slice %arg4[%add3A_10, %dma_start3A_33] : memref<16384x256xf32, #tpu.memory_space<hbm>> -> memref<128x256xf32, #tpu.memory_space<hbm>>
      %dma_start3A_35 = arith.constant 0 : i32
      %dma_start3A_36 = tpu.memref_slice %arg4[%add3A_10, %dma_start3A_35] : memref<16384x256xf32, #tpu.memory_space<hbm>> -> memref<128x256xf32, #tpu.memory_space<hbm>>
      tpu.enqueue_dma source(%arg6 : memref<128x256xf32, #tpu.memory_space<vmem>>) target(%dma_start3A_36 : memref<128x256xf32, #tpu.memory_space<hbm>>) target_semaphore(%run_scoped3A : memref<!tpu.dma_semaphore, #tpu.memory_space<semaphore_mem>>)
      %dma_wait3A_37 = arith.constant 0 : i32
      %dma_wait3A_38 = tpu.memref_slice %arg4[%add3A_10, %dma_wait3A_37] : memref<16384x256xf32, #tpu.memory_space<hbm>> -> memref<128x256xf32, #tpu.memory_space<hbm>>
      %dma_wait3A_39 = arith.constant 0 : i32
      %dma_wait3A_40 = tpu.memref_slice %arg4[%add3A_10, %dma_wait3A_39] : memref<16384x256xf32, #tpu.memory_space<hbm>> -> memref<128x256xf32, #tpu.memory_space<hbm>>
      tpu.wait_dma2 semaphore(%run_scoped3A : memref<!tpu.dma_semaphore, #tpu.memory_space<semaphore_mem>>) src(%arg6 : memref<128x256xf32, #tpu.memory_space<vmem>>) dst(%dma_wait3A_40 : memref<128x256xf32, #tpu.memory_space<hbm>>)
      tpu.yield
    }) : () -> ()
    %add3A_17 = arith.constant 256 : i32
    %add3A_18 = arith.addi %mul3A_2, %add3A_17 : i32
    "tpu.region"() ({
      %run_scoped3A = tpu.sem_alloc : memref<!tpu.dma_semaphore, #tpu.memory_space<semaphore_mem>>
      %dma_start3A_33 = tpu.memref_slice %arg3[%add3A_18] : memref<16384xi32, #tpu.memory_space<hbm>> -> memref<128xi32, #tpu.memory_space<hbm>>
      %dma_start3A_34 = tpu.memref_slice %arg3[%add3A_18] : memref<16384xi32, #tpu.memory_space<hbm>> -> memref<128xi32, #tpu.memory_space<hbm>>
      tpu.enqueue_dma source(%dma_start3A_34 : memref<128xi32, #tpu.memory_space<hbm>>) target(%arg5 : memref<128xi32, #tpu.memory_space<vmem>>) target_semaphore(%run_scoped3A : memref<!tpu.dma_semaphore, #tpu.memory_space<semaphore_mem>>)
      %dma_wait3A_35 = tpu.memref_slice %arg3[%add3A_18] : memref<16384xi32, #tpu.memory_space<hbm>> -> memref<128xi32, #tpu.memory_space<hbm>>
      %dma_wait3A_36 = tpu.memref_slice %arg3[%add3A_18] : memref<16384xi32, #tpu.memory_space<hbm>> -> memref<128xi32, #tpu.memory_space<hbm>>
      tpu.wait_dma2 semaphore(%run_scoped3A : memref<!tpu.dma_semaphore, #tpu.memory_space<semaphore_mem>>) src(%dma_wait3A_36 : memref<128xi32, #tpu.memory_space<hbm>>) dst(%arg5 : memref<128xi32, #tpu.memory_space<vmem>>)
      tpu.yield
    }) : () -> ()
    %dma_start3A_19 = arith.constant 0 : i32
    %dma_start3A_20 = arith.constant 0 : i32
    %dma_start3A_21 = tpu.memref_slice %arg2[%dma_start3A_19, %dma_start3A_20] : memref<8192x256xf32, #tpu.memory_space<hbm>> -> memref<8192x256xf32, #tpu.memory_space<hbm>>
    tpu.enqueue_indirect_dma source(%dma_start3A_21 : memref<8192x256xf32, #tpu.memory_space<hbm>>) target(%arg6 : memref<128x256xf32, #tpu.memory_space<vmem>>) offsets(%arg5 : memref<128xi32, #tpu.memory_space<vmem>>) semaphore(%arg7 : memref<!tpu.dma_semaphore, #tpu.memory_space<semaphore_mem>>)
    %dma_wait3A_22 = arith.constant 0 : i32
    %dma_wait3A_23 = arith.constant 0 : i32
    %dma_wait3A_24 = tpu.memref_slice %arg2[%dma_wait3A_22, %dma_wait3A_23] : memref<8192x256xf32, #tpu.memory_space<hbm>> -> memref<8192x256xf32, #tpu.memory_space<hbm>>
    tpu.wait_indirect_dma semaphore(%arg7 : memref<!tpu.dma_semaphore, #tpu.memory_space<semaphore_mem>>) src(%dma_wait3A_24 : memref<8192x256xf32, #tpu.memory_space<hbm>>) dst(%arg6 : memref<128x256xf32, #tpu.memory_space<vmem>>)
    "tpu.region"() ({
      %run_scoped3A = tpu.sem_alloc : memref<!tpu.dma_semaphore, #tpu.memory_space<semaphore_mem>>
      %dma_start3A_33 = arith.constant 0 : i32
      %dma_start3A_34 = tpu.memref_slice %arg4[%add3A_18, %dma_start3A_33] : memref<16384x256xf32, #tpu.memory_space<hbm>> -> memref<128x256xf32, #tpu.memory_space<hbm>>
      %dma_start3A_35 = arith.constant 0 : i32
      %dma_start3A_36 = tpu.memref_slice %arg4[%add3A_18, %dma_start3A_35] : memref<16384x256xf32, #tpu.memory_space<hbm>> -> memref<128x256xf32, #tpu.memory_space<hbm>>
      tpu.enqueue_dma source(%arg6 : memref<128x256xf32, #tpu.memory_space<vmem>>) target(%dma_start3A_36 : memref<128x256xf32, #tpu.memory_space<hbm>>) target_semaphore(%run_scoped3A : memref<!tpu.dma_semaphore, #tpu.memory_space<semaphore_mem>>)
      %dma_wait3A_37 = arith.constant 0 : i32
      %dma_wait3A_38 = tpu.memref_slice %arg4[%add3A_18, %dma_wait3A_37] : memref<16384x256xf32, #tpu.memory_space<hbm>> -> memref<128x256xf32, #tpu.memory_space<hbm>>
      %dma_wait3A_39 = arith.constant 0 : i32
      %dma_wait3A_40 = tpu.memref_slice %arg4[%add3A_18, %dma_wait3A_39] : memref<16384x256xf32, #tpu.memory_space<hbm>> -> memref<128x256xf32, #tpu.memory_space<hbm>>
      tpu.wait_dma2 semaphore(%run_scoped3A : memref<!tpu.dma_semaphore, #tpu.memory_space<semaphore_mem>>) src(%arg6 : memref<128x256xf32, #tpu.memory_space<vmem>>) dst(%dma_wait3A_40 : memref<128x256xf32, #tpu.memory_space<hbm>>)
      tpu.yield
    }) : () -> ()
    %add3A_25 = arith.constant 384 : i32
    %add3A_26 = arith.addi %mul3A_2, %add3A_25 : i32
    "tpu.region"() ({
      %run_scoped3A = tpu.sem_alloc : memref<!tpu.dma_semaphore, #tpu.memory_space<semaphore_mem>>
      %dma_start3A_33 = tpu.memref_slice %arg3[%add3A_26] : memref<16384xi32, #tpu.memory_space<hbm>> -> memref<128xi32, #tpu.memory_space<hbm>>
      %dma_start3A_34 = tpu.memref_slice %arg3[%add3A_26] : memref<16384xi32, #tpu.memory_space<hbm>> -> memref<128xi32, #tpu.memory_space<hbm>>
      tpu.enqueue_dma source(%dma_start3A_34 : memref<128xi32, #tpu.memory_space<hbm>>) target(%arg5 : memref<128xi32, #tpu.memory_space<vmem>>) target_semaphore(%run_scoped3A : memref<!tpu.dma_semaphore, #tpu.memory_space<semaphore_mem>>)
      %dma_wait3A_35 = tpu.memref_slice %arg3[%add3A_26] : memref<16384xi32, #tpu.memory_space<hbm>> -> memref<128xi32, #tpu.memory_space<hbm>>
      %dma_wait3A_36 = tpu.memref_slice %arg3[%add3A_26] : memref<16384xi32, #tpu.memory_space<hbm>> -> memref<128xi32, #tpu.memory_space<hbm>>
      tpu.wait_dma2 semaphore(%run_scoped3A : memref<!tpu.dma_semaphore, #tpu.memory_space<semaphore_mem>>) src(%dma_wait3A_36 : memref<128xi32, #tpu.memory_space<hbm>>) dst(%arg5 : memref<128xi32, #tpu.memory_space<vmem>>)
      tpu.yield
    }) : () -> ()
    %dma_start3A_27 = arith.constant 0 : i32
    %dma_start3A_28 = arith.constant 0 : i32
    %dma_start3A_29 = tpu.memref_slice %arg2[%dma_start3A_27, %dma_start3A_28] : memref<8192x256xf32, #tpu.memory_space<hbm>> -> memref<8192x256xf32, #tpu.memory_space<hbm>>
    tpu.enqueue_indirect_dma source(%dma_start3A_29 : memref<8192x256xf32, #tpu.memory_space<hbm>>) target(%arg6 : memref<128x256xf32, #tpu.memory_space<vmem>>) offsets(%arg5 : memref<128xi32, #tpu.memory_space<vmem>>) semaphore(%arg7 : memref<!tpu.dma_semaphore, #tpu.memory_space<semaphore_mem>>)
    %dma_wait3A_30 = arith.constant 0 : i32
    %dma_wait3A_31 = arith.constant 0 : i32
    %dma_wait3A_32 = tpu.memref_slice %arg2[%dma_wait3A_30, %dma_wait3A_31] : memref<8192x256xf32, #tpu.memory_space<hbm>> -> memref<8192x256xf32, #tpu.memory_space<hbm>>
    tpu.wait_indirect_dma semaphore(%arg7 : memref<!tpu.dma_semaphore, #tpu.memory_space<semaphore_mem>>) src(%dma_wait3A_32 : memref<8192x256xf32, #tpu.memory_space<hbm>>) dst(%arg6 : memref<128x256xf32, #tpu.memory_space<vmem>>)
    "tpu.region"() ({
      %run_scoped3A = tpu.sem_alloc : memref<!tpu.dma_semaphore, #tpu.memory_space<semaphore_mem>>
      %dma_start3A_33 = arith.constant 0 : i32
      %dma_start3A_34 = tpu.memref_slice %arg4[%add3A_26, %dma_start3A_33] : memref<16384x256xf32, #tpu.memory_space<hbm>> -> memref<128x256xf32, #tpu.memory_space<hbm>>
      %dma_start3A_35 = arith.constant 0 : i32
      %dma_start3A_36 = tpu.memref_slice %arg4[%add3A_26, %dma_start3A_35] : memref<16384x256xf32, #tpu.memory_space<hbm>> -> memref<128x256xf32, #tpu.memory_space<hbm>>
      tpu.enqueue_dma source(%arg6 : memref<128x256xf32, #tpu.memory_space<vmem>>) target(%dma_start3A_36 : memref<128x256xf32, #tpu.memory_space<hbm>>) target_semaphore(%run_scoped3A : memref<!tpu.dma_semaphore, #tpu.memory_space<semaphore_mem>>)
      %dma_wait3A_37 = arith.constant 0 : i32
      %dma_wait3A_38 = tpu.memref_slice %arg4[%add3A_26, %dma_wait3A_37] : memref<16384x256xf32, #tpu.memory_space<hbm>> -> memref<128x256xf32, #tpu.memory_space<hbm>>
      %dma_wait3A_39 = arith.constant 0 : i32
      %dma_wait3A_40 = tpu.memref_slice %arg4[%add3A_26, %dma_wait3A_39] : memref<16384x256xf32, #tpu.memory_space<hbm>> -> memref<128x256xf32, #tpu.memory_space<hbm>>
      tpu.wait_dma2 semaphore(%run_scoped3A : memref<!tpu.dma_semaphore, #tpu.memory_space<semaphore_mem>>) src(%arg6 : memref<128x256xf32, #tpu.memory_space<vmem>>) dst(%dma_wait3A_40 : memref<128x256xf32, #tpu.memory_space<hbm>>)
      tpu.yield
    }) : () -> ()
    return
  }
}

module attributes {stable_mosaic.version = 14 : i64} {
  func.func @_es_body(%arg0: i32, %arg1: memref<1024x256xf32, #tpu.memory_space<vmem>>, %arg2: memref<1024x1xf32, #tpu.memory_space<vmem>>) attributes {dimension_semantics = [#tpu.dimension_semantics<arbitrary>], iteration_bounds = array<i64: 8>, scalar_prefetch = 0 : i64, scratch_operands = 0 : i64, tpu.core_type = #tpu.core_type<tc>, window_params = [{transform_indices = @transform_0, window_bounds = array<i64: 1024, 256>}, {transform_indices = @transform_1, window_bounds = array<i64: 1024, 1>}]} {
    %get3A = arith.constant 0 : index
    %get3A_0 = arith.constant 0 : index
    %get3A_1 = vector.load %arg1[%get3A, %get3A_0] : memref<1024x256xf32, #tpu.memory_space<vmem>>, vector<1024x256xf32>
    %mul3A = arith.mulf %get3A_1, %get3A_1 : vector<1024x256xf32>
    %slice3A = vector.extract_strided_slice %mul3A {offsets = [0, 0], sizes = [1024, 128], strides = [1, 1]} : vector<1024x256xf32> to vector<1024x128xf32>
    %slice3A_2 = vector.extract_strided_slice %mul3A {offsets = [0, 128], sizes = [1024, 128], strides = [1, 1]} : vector<1024x256xf32> to vector<1024x128xf32>
    %add3A = arith.addf %slice3A, %slice3A_2 : vector<1024x128xf32>
    %slice3A_3 = vector.extract_strided_slice %add3A {offsets = [0, 0], sizes = [1024, 8], strides = [1, 1]} : vector<1024x128xf32> to vector<1024x8xf32>
    %slice3A_4 = vector.extract_strided_slice %add3A {offsets = [0, 8], sizes = [1024, 8], strides = [1, 1]} : vector<1024x128xf32> to vector<1024x8xf32>
    %add3A_5 = arith.addf %slice3A_3, %slice3A_4 : vector<1024x8xf32>
    %slice3A_6 = vector.extract_strided_slice %add3A {offsets = [0, 16], sizes = [1024, 8], strides = [1, 1]} : vector<1024x128xf32> to vector<1024x8xf32>
    %add3A_7 = arith.addf %add3A_5, %slice3A_6 : vector<1024x8xf32>
    %slice3A_8 = vector.extract_strided_slice %add3A {offsets = [0, 24], sizes = [1024, 8], strides = [1, 1]} : vector<1024x128xf32> to vector<1024x8xf32>
    %add3A_9 = arith.addf %add3A_7, %slice3A_8 : vector<1024x8xf32>
    %slice3A_10 = vector.extract_strided_slice %add3A {offsets = [0, 32], sizes = [1024, 8], strides = [1, 1]} : vector<1024x128xf32> to vector<1024x8xf32>
    %add3A_11 = arith.addf %add3A_9, %slice3A_10 : vector<1024x8xf32>
    %slice3A_12 = vector.extract_strided_slice %add3A {offsets = [0, 40], sizes = [1024, 8], strides = [1, 1]} : vector<1024x128xf32> to vector<1024x8xf32>
    %add3A_13 = arith.addf %add3A_11, %slice3A_12 : vector<1024x8xf32>
    %slice3A_14 = vector.extract_strided_slice %add3A {offsets = [0, 48], sizes = [1024, 8], strides = [1, 1]} : vector<1024x128xf32> to vector<1024x8xf32>
    %add3A_15 = arith.addf %add3A_13, %slice3A_14 : vector<1024x8xf32>
    %slice3A_16 = vector.extract_strided_slice %add3A {offsets = [0, 56], sizes = [1024, 8], strides = [1, 1]} : vector<1024x128xf32> to vector<1024x8xf32>
    %add3A_17 = arith.addf %add3A_15, %slice3A_16 : vector<1024x8xf32>
    %slice3A_18 = vector.extract_strided_slice %add3A {offsets = [0, 64], sizes = [1024, 8], strides = [1, 1]} : vector<1024x128xf32> to vector<1024x8xf32>
    %add3A_19 = arith.addf %add3A_17, %slice3A_18 : vector<1024x8xf32>
    %slice3A_20 = vector.extract_strided_slice %add3A {offsets = [0, 72], sizes = [1024, 8], strides = [1, 1]} : vector<1024x128xf32> to vector<1024x8xf32>
    %add3A_21 = arith.addf %add3A_19, %slice3A_20 : vector<1024x8xf32>
    %slice3A_22 = vector.extract_strided_slice %add3A {offsets = [0, 80], sizes = [1024, 8], strides = [1, 1]} : vector<1024x128xf32> to vector<1024x8xf32>
    %add3A_23 = arith.addf %add3A_21, %slice3A_22 : vector<1024x8xf32>
    %slice3A_24 = vector.extract_strided_slice %add3A {offsets = [0, 88], sizes = [1024, 8], strides = [1, 1]} : vector<1024x128xf32> to vector<1024x8xf32>
    %add3A_25 = arith.addf %add3A_23, %slice3A_24 : vector<1024x8xf32>
    %slice3A_26 = vector.extract_strided_slice %add3A {offsets = [0, 96], sizes = [1024, 8], strides = [1, 1]} : vector<1024x128xf32> to vector<1024x8xf32>
    %add3A_27 = arith.addf %add3A_25, %slice3A_26 : vector<1024x8xf32>
    %slice3A_28 = vector.extract_strided_slice %add3A {offsets = [0, 104], sizes = [1024, 8], strides = [1, 1]} : vector<1024x128xf32> to vector<1024x8xf32>
    %add3A_29 = arith.addf %add3A_27, %slice3A_28 : vector<1024x8xf32>
    %slice3A_30 = vector.extract_strided_slice %add3A {offsets = [0, 112], sizes = [1024, 8], strides = [1, 1]} : vector<1024x128xf32> to vector<1024x8xf32>
    %add3A_31 = arith.addf %add3A_29, %slice3A_30 : vector<1024x8xf32>
    %slice3A_32 = vector.extract_strided_slice %add3A {offsets = [0, 120], sizes = [1024, 8], strides = [1, 1]} : vector<1024x128xf32> to vector<1024x8xf32>
    %add3A_33 = arith.addf %add3A_31, %slice3A_32 : vector<1024x8xf32>
    %slice3A_34 = vector.extract_strided_slice %add3A_33 {offsets = [0, 0], sizes = [1024, 4], strides = [1, 1]} : vector<1024x8xf32> to vector<1024x4xf32>
    %slice3A_35 = vector.extract_strided_slice %add3A_33 {offsets = [0, 4], sizes = [1024, 4], strides = [1, 1]} : vector<1024x8xf32> to vector<1024x4xf32>
    %add3A_36 = arith.addf %slice3A_34, %slice3A_35 : vector<1024x4xf32>
    %slice3A_37 = vector.extract_strided_slice %add3A_36 {offsets = [0, 0], sizes = [1024, 2], strides = [1, 1]} : vector<1024x4xf32> to vector<1024x2xf32>
    %slice3A_38 = vector.extract_strided_slice %add3A_36 {offsets = [0, 2], sizes = [1024, 2], strides = [1, 1]} : vector<1024x4xf32> to vector<1024x2xf32>
    %add3A_39 = arith.addf %slice3A_37, %slice3A_38 : vector<1024x2xf32>
    %slice3A_40 = vector.extract_strided_slice %add3A_39 {offsets = [0, 0], sizes = [1024, 1], strides = [1, 1]} : vector<1024x2xf32> to vector<1024x1xf32>
    %slice3A_41 = vector.extract_strided_slice %add3A_39 {offsets = [0, 1], sizes = [1024, 1], strides = [1, 1]} : vector<1024x2xf32> to vector<1024x1xf32>
    %add3A_42 = arith.addf %slice3A_40, %slice3A_41 : vector<1024x1xf32>
    %swap3A = arith.constant 0 : index
    %swap3A_43 = arith.constant 0 : index
    %swap3A_44 = vector.load %arg2[%swap3A, %swap3A_43] : memref<1024x1xf32, #tpu.memory_space<vmem>>, vector<1024x1xf32>
    tpu.vector_store %arg2[%swap3A, %swap3A_43], %add3A_42 {strides = array<i32>} : memref<1024x1xf32, #tpu.memory_space<vmem>>, vector<1024x1xf32>,
    return
  }
  func.func @transform_0(%arg0: i32) -> (i32, i32) {
    %c0_i32 = arith.constant 0 : i32
    %c0_i32_0 = arith.constant 0 : i32
    return %arg0, %c0_i32 : i32, i32
  }
  func.func @transform_1(%arg0: i32) -> (i32, i32) {
    %c0_i32 = arith.constant 0 : i32
    %c0_i32_0 = arith.constant 0 : i32
    return %arg0, %c0_i32 : i32, i32
  }
}

module attributes {stable_mosaic.version = 14 : i64} {
  func.func @_vq_tc_body(%arg0: i32, %arg1: memref<256x256xf32, #tpu.memory_space<vmem>>, %arg2: memref<8192x256xf32, #tpu.memory_space<vmem>>, %arg3: memref<1x8192xf32, #tpu.memory_space<vmem>>, %arg4: memref<1x1x256xi32, #tpu.memory_space<vmem>>, %arg5: memref<256x8192xf32, #tpu.memory_space<vmem>>, %arg6: memref<1x1xf32, #tpu.memory_space<vmem>>, %arg7: memref<1x1xf32, #tpu.memory_space<vmem>>, %arg8: memref<1x8192xf32, #tpu.memory_space<vmem>>, %arg9: memref<256x1xi32, #tpu.memory_space<vmem>>, %arg10: memref<1x8192xf32, #tpu.memory_space<vmem>>, %arg11: memref<256x1xf32, #tpu.memory_space<vmem>>) attributes {dimension_semantics = [#tpu.dimension_semantics<arbitrary>], iteration_bounds = array<i64: 64>, scalar_prefetch = 0 : i64, scratch_operands = 4 : i64, tpu.core_type = #tpu.core_type<tc>, window_params = [{transform_indices = @transform_0, window_bounds = array<i64: 256, 256>}, {pipeline_mode = #tpu.pipeline_mode<synchronous>, transform_indices = @transform_1, window_bounds = array<i64: 8192, 256>}, {pipeline_mode = #tpu.pipeline_mode<synchronous>, transform_indices = @transform_2, window_bounds = array<i64: 1, 8192>}, {transform_indices = @transform_3, window_bounds = array<i64: 1, 1, 256>}, {transform_indices = @transform_4, window_bounds = array<i64: 256, 8192>}, {pipeline_mode = #tpu.pipeline_mode<synchronous>, transform_indices = @transform_5, window_bounds = array<i64: 1, 1>}, {pipeline_mode = #tpu.pipeline_mode<synchronous>, transform_indices = @transform_6, window_bounds = array<i64: 1, 1>}]} {
    %eq3A = arith.constant 0 : i32
    %eq3A_0 = arith.cmpi eq, %arg0, %eq3A : i32
    %convert_element_type3A = arith.extui %eq3A_0 : i1 to i32
    %cond3A = arith.constant 0 : i32
    %cond3A_1 = arith.cmpi ne, %convert_element_type3A, %cond3A : i32
    scf.if %cond3A_1 {
      %iota3A_299 = tpu.iota {dimensions = array<i32: 1>} : vector<1x8192xi32>
      %ge3A = arith.constant 2736 : i32
      %ge3A_300 = vector.broadcast %ge3A : i32 to vector<1x8192xi32>
      %ge3A_301 = arith.cmpi sge, %iota3A_299, %ge3A_300 : vector<1x8192xi32>
      %convert_element_type3A_302 = arith.extui %ge3A_301 : vector<1x8192xi1> to vector<1x8192xi32>
      %ge3A_303 = arith.constant 5472 : i32
      %ge3A_304 = vector.broadcast %ge3A_303 : i32 to vector<1x8192xi32>
      %ge3A_305 = arith.cmpi sge, %iota3A_299, %ge3A_304 : vector<1x8192xi32>
      %convert_element_type3A_306 = arith.extui %ge3A_305 : vector<1x8192xi1> to vector<1x8192xi32>
      %add3A_307 = arith.addi %convert_element_type3A_302, %convert_element_type3A_306 : vector<1x8192xi32>
      %mul3A_308 = arith.constant 8192 : i32
      %mul3A_309 = vector.broadcast %mul3A_308 : i32 to vector<1x8192xi32>
      %mul3A_310 = arith.muli %add3A_307, %mul3A_309 : vector<1x8192xi32>
      %add3A_311 = arith.addi %iota3A_299, %mul3A_310 : vector<1x8192xi32>
      %convert_element_type3A_312 = arith.sitofp %add3A_311 : vector<1x8192xi32> to vector<1x8192xf32>
      %swap3A_313 = arith.constant 0 : index
      %swap3A_314 = arith.constant 0 : index
      %swap3A_315 = vector.load %arg8[%swap3A_313, %swap3A_314] : memref<1x8192xf32, #tpu.memory_space<vmem>>, vector<1x8192xf32>
      tpu.vector_store %arg8[%swap3A_313, %swap3A_314], %convert_element_type3A_312 {strides = array<i32>} : memref<1x8192xf32, #tpu.memory_space<vmem>>, vector<1x8192xf32>,
      %broadcast_in_dim3A_316 = arith.constant 0.000000e+00 : f32
      %broadcast_in_dim3A_317 = vector.broadcast %broadcast_in_dim3A_316 : f32 to vector<1x8192xf32>
      %swap3A_318 = arith.constant 0 : index
      %swap3A_319 = arith.constant 0 : index
      %swap3A_320 = vector.load %arg10[%swap3A_318, %swap3A_319] : memref<1x8192xf32, #tpu.memory_space<vmem>>, vector<1x8192xf32>
      tpu.vector_store %arg10[%swap3A_318, %swap3A_319], %broadcast_in_dim3A_317 {strides = array<i32>} : memref<1x8192xf32, #tpu.memory_space<vmem>>, vector<1x8192xf32>,
      %broadcast_in_dim3A_321 = arith.constant 0.000000e+00 : f32
      %broadcast_in_dim3A_322 = vector.broadcast %broadcast_in_dim3A_321 : f32 to vector<256x1xf32>
      %swap3A_323 = arith.constant 0 : index
      %swap3A_324 = arith.constant 0 : index
      %swap3A_325 = vector.load %arg11[%swap3A_323, %swap3A_324] : memref<256x1xf32, #tpu.memory_space<vmem>>, vector<256x1xf32>
      tpu.vector_store %arg11[%swap3A_323, %swap3A_324], %broadcast_in_dim3A_322 {strides = array<i32>} : memref<256x1xf32, #tpu.memory_space<vmem>>, vector<256x1xf32>,
    } else {
    }
    %get3A = arith.constant 0 : index
    %get3A_2 = arith.constant 0 : index
    %get3A_3 = vector.load %arg1[%get3A, %get3A_2] : memref<256x256xf32, #tpu.memory_space<vmem>>, vector<256x256xf32>
    %mul3A = arith.mulf %get3A_3, %get3A_3 : vector<256x256xf32>
    %slice3A = vector.extract_strided_slice %mul3A {offsets = [0, 0], sizes = [256, 128], strides = [1, 1]} : vector<256x256xf32> to vector<256x128xf32>
    %slice3A_4 = vector.extract_strided_slice %mul3A {offsets = [0, 128], sizes = [256, 128], strides = [1, 1]} : vector<256x256xf32> to vector<256x128xf32>
    %add3A = arith.addf %slice3A, %slice3A_4 : vector<256x128xf32>
    %slice3A_5 = vector.extract_strided_slice %add3A {offsets = [0, 0], sizes = [256, 8], strides = [1, 1]} : vector<256x128xf32> to vector<256x8xf32>
    %slice3A_6 = vector.extract_strided_slice %add3A {offsets = [0, 8], sizes = [256, 8], strides = [1, 1]} : vector<256x128xf32> to vector<256x8xf32>
    %add3A_7 = arith.addf %slice3A_5, %slice3A_6 : vector<256x8xf32>
    %slice3A_8 = vector.extract_strided_slice %add3A {offsets = [0, 16], sizes = [256, 8], strides = [1, 1]} : vector<256x128xf32> to vector<256x8xf32>
    %add3A_9 = arith.addf %add3A_7, %slice3A_8 : vector<256x8xf32>
    %slice3A_10 = vector.extract_strided_slice %add3A {offsets = [0, 24], sizes = [256, 8], strides = [1, 1]} : vector<256x128xf32> to vector<256x8xf32>
    %add3A_11 = arith.addf %add3A_9, %slice3A_10 : vector<256x8xf32>
    %slice3A_12 = vector.extract_strided_slice %add3A {offsets = [0, 32], sizes = [256, 8], strides = [1, 1]} : vector<256x128xf32> to vector<256x8xf32>
    %add3A_13 = arith.addf %add3A_11, %slice3A_12 : vector<256x8xf32>
    %slice3A_14 = vector.extract_strided_slice %add3A {offsets = [0, 40], sizes = [256, 8], strides = [1, 1]} : vector<256x128xf32> to vector<256x8xf32>
    %add3A_15 = arith.addf %add3A_13, %slice3A_14 : vector<256x8xf32>
    %slice3A_16 = vector.extract_strided_slice %add3A {offsets = [0, 48], sizes = [256, 8], strides = [1, 1]} : vector<256x128xf32> to vector<256x8xf32>
    %add3A_17 = arith.addf %add3A_15, %slice3A_16 : vector<256x8xf32>
    %slice3A_18 = vector.extract_strided_slice %add3A {offsets = [0, 56], sizes = [256, 8], strides = [1, 1]} : vector<256x128xf32> to vector<256x8xf32>
    %add3A_19 = arith.addf %add3A_17, %slice3A_18 : vector<256x8xf32>
    %slice3A_20 = vector.extract_strided_slice %add3A {offsets = [0, 64], sizes = [256, 8], strides = [1, 1]} : vector<256x128xf32> to vector<256x8xf32>
    %add3A_21 = arith.addf %add3A_19, %slice3A_20 : vector<256x8xf32>
    %slice3A_22 = vector.extract_strided_slice %add3A {offsets = [0, 72], sizes = [256, 8], strides = [1, 1]} : vector<256x128xf32> to vector<256x8xf32>
    %add3A_23 = arith.addf %add3A_21, %slice3A_22 : vector<256x8xf32>
    %slice3A_24 = vector.extract_strided_slice %add3A {offsets = [0, 80], sizes = [256, 8], strides = [1, 1]} : vector<256x128xf32> to vector<256x8xf32>
    %add3A_25 = arith.addf %add3A_23, %slice3A_24 : vector<256x8xf32>
    %slice3A_26 = vector.extract_strided_slice %add3A {offsets = [0, 88], sizes = [256, 8], strides = [1, 1]} : vector<256x128xf32> to vector<256x8xf32>
    %add3A_27 = arith.addf %add3A_25, %slice3A_26 : vector<256x8xf32>
    %slice3A_28 = vector.extract_strided_slice %add3A {offsets = [0, 96], sizes = [256, 8], strides = [1, 1]} : vector<256x128xf32> to vector<256x8xf32>
    %add3A_29 = arith.addf %add3A_27, %slice3A_28 : vector<256x8xf32>
    %slice3A_30 = vector.extract_strided_slice %add3A {offsets = [0, 104], sizes = [256, 8], strides = [1, 1]} : vector<256x128xf32> to vector<256x8xf32>
    %add3A_31 = arith.addf %add3A_29, %slice3A_30 : vector<256x8xf32>
    %slice3A_32 = vector.extract_strided_slice %add3A {offsets = [0, 112], sizes = [256, 8], strides = [1, 1]} : vector<256x128xf32> to vector<256x8xf32>
    %add3A_33 = arith.addf %add3A_31, %slice3A_32 : vector<256x8xf32>
    %slice3A_34 = vector.extract_strided_slice %add3A {offsets = [0, 120], sizes = [256, 8], strides = [1, 1]} : vector<256x128xf32> to vector<256x8xf32>
    %add3A_35 = arith.addf %add3A_33, %slice3A_34 : vector<256x8xf32>
    %slice3A_36 = vector.extract_strided_slice %add3A_35 {offsets = [0, 0], sizes = [256, 4], strides = [1, 1]} : vector<256x8xf32> to vector<256x4xf32>
    %slice3A_37 = vector.extract_strided_slice %add3A_35 {offsets = [0, 4], sizes = [256, 4], strides = [1, 1]} : vector<256x8xf32> to vector<256x4xf32>
    %add3A_38 = arith.addf %slice3A_36, %slice3A_37 : vector<256x4xf32>
    %slice3A_39 = vector.extract_strided_slice %add3A_38 {offsets = [0, 0], sizes = [256, 2], strides = [1, 1]} : vector<256x4xf32> to vector<256x2xf32>
    %slice3A_40 = vector.extract_strided_slice %add3A_38 {offsets = [0, 2], sizes = [256, 2], strides = [1, 1]} : vector<256x4xf32> to vector<256x2xf32>
    %add3A_41 = arith.addf %slice3A_39, %slice3A_40 : vector<256x2xf32>
    %slice3A_42 = vector.extract_strided_slice %add3A_41 {offsets = [0, 0], sizes = [256, 1], strides = [1, 1]} : vector<256x2xf32> to vector<256x1xf32>
    %slice3A_43 = vector.extract_strided_slice %add3A_41 {offsets = [0, 1], sizes = [256, 1], strides = [1, 1]} : vector<256x2xf32> to vector<256x1xf32>
    %add3A_44 = arith.addf %slice3A_42, %slice3A_43 : vector<256x1xf32>
    %get3A_45 = arith.constant 0 : index
    %get3A_46 = arith.constant 0 : index
    %get3A_47 = vector.load %arg3[%get3A_45, %get3A_46] : memref<1x8192xf32, #tpu.memory_space<vmem>>, vector<1x8192xf32>
    %mul3A_48 = arith.constant -2.000000e+00 : f32
    %mul3A_49 = vector.broadcast %mul3A_48 : f32 to vector<256x256xf32>
    %mul3A_50 = arith.mulf %get3A_3, %mul3A_49 : vector<256x256xf32>
    %get3A_51 = arith.constant 0 : index
    %get3A_52 = arith.constant 0 : index
    %get3A_53 = vector.load %arg2[%get3A_51, %get3A_52] : memref<8192x256xf32, #tpu.memory_space<vmem>>, vector<8192x256xf32>
    %dot_general3A = arith.constant dense<0.000000e+00> : vector<256x8192xf32>
    %dot_general3A_54 = tpu.matmul %mul3A_50, %get3A_53, %dot_general3A {dimension_numbers = #tpu.dot_dimension_numbers<[1], [1], [0], [0], [0, 0, 1, 0], [], []>, transpose_lhs_hint = false} : vector<256x256xf32>, vector<8192x256xf32>, vector<256x8192xf32> -> vector<256x8192xf32>
    %add3A_55 = vector.broadcast %add3A_44 : vector<256x1xf32> to vector<256x8192xf32>
    %add3A_56 = vector.broadcast %get3A_47 : vector<1x8192xf32> to vector<256x8192xf32>
    %add3A_57 = arith.addf %add3A_55, %add3A_56 : vector<256x8192xf32>
    %add3A_58 = arith.addf %add3A_57, %dot_general3A_54 : vector<256x8192xf32>
    %slice3A_59 = vector.extract_strided_slice %add3A_58 {offsets = [0, 0], sizes = [256, 128], strides = [1, 1]} : vector<256x8192xf32> to vector<256x128xf32>
    %slice3A_60 = vector.extract_strided_slice %add3A_58 {offsets = [0, 128], sizes = [256, 128], strides = [1, 1]} : vector<256x8192xf32> to vector<256x128xf32>
    %min3A = arith.minimumf %slice3A_59, %slice3A_60 : vector<256x128xf32>
    %slice3A_61 = vector.extract_strided_slice %add3A_58 {offsets = [0, 256], sizes = [256, 128], strides = [1, 1]} : vector<256x8192xf32> to vector<256x128xf32>
    %slice3A_62 = vector.extract_strided_slice %add3A_58 {offsets = [0, 384], sizes = [256, 128], strides = [1, 1]} : vector<256x8192xf32> to vector<256x128xf32>
    %min3A_63 = arith.minimumf %slice3A_61, %slice3A_62 : vector<256x128xf32>
    %min3A_64 = arith.minimumf %min3A, %min3A_63 : vector<256x128xf32>
    %slice3A_65 = vector.extract_strided_slice %add3A_58 {offsets = [0, 512], sizes = [256, 128], strides = [1, 1]} : vector<256x8192xf32> to vector<256x128xf32>
    %slice3A_66 = vector.extract_strided_slice %add3A_58 {offsets = [0, 640], sizes = [256, 128], strides = [1, 1]} : vector<256x8192xf32> to vector<256x128xf32>
    %min3A_67 = arith.minimumf %slice3A_65, %slice3A_66 : vector<256x128xf32>
    %slice3A_68 = vector.extract_strided_slice %add3A_58 {offsets = [0, 768], sizes = [256, 128], strides = [1, 1]} : vector<256x8192xf32> to vector<256x128xf32>
    %slice3A_69 = vector.extract_strided_slice %add3A_58 {offsets = [0, 896], sizes = [256, 128], strides = [1, 1]} : vector<256x8192xf32> to vector<256x128xf32>
    %min3A_70 = arith.minimumf %slice3A_68, %slice3A_69 : vector<256x128xf32>
    %min3A_71 = arith.minimumf %min3A_67, %min3A_70 : vector<256x128xf32>
    %min3A_72 = arith.minimumf %min3A_64, %min3A_71 : vector<256x128xf32>
    %slice3A_73 = vector.extract_strided_slice %add3A_58 {offsets = [0, 1024], sizes = [256, 128], strides = [1, 1]} : vector<256x8192xf32> to vector<256x128xf32>
    %slice3A_74 = vector.extract_strided_slice %add3A_58 {offsets = [0, 1152], sizes = [256, 128], strides = [1, 1]} : vector<256x8192xf32> to vector<256x128xf32>
    %min3A_75 = arith.minimumf %slice3A_73, %slice3A_74 : vector<256x128xf32>
    %slice3A_76 = vector.extract_strided_slice %add3A_58 {offsets = [0, 1280], sizes = [256, 128], strides = [1, 1]} : vector<256x8192xf32> to vector<256x128xf32>
    %slice3A_77 = vector.extract_strided_slice %add3A_58 {offsets = [0, 1408], sizes = [256, 128], strides = [1, 1]} : vector<256x8192xf32> to vector<256x128xf32>
    %min3A_78 = arith.minimumf %slice3A_76, %slice3A_77 : vector<256x128xf32>
    %min3A_79 = arith.minimumf %min3A_75, %min3A_78 : vector<256x128xf32>
    %slice3A_80 = vector.extract_strided_slice %add3A_58 {offsets = [0, 1536], sizes = [256, 128], strides = [1, 1]} : vector<256x8192xf32> to vector<256x128xf32>
    %slice3A_81 = vector.extract_strided_slice %add3A_58 {offsets = [0, 1664], sizes = [256, 128], strides = [1, 1]} : vector<256x8192xf32> to vector<256x128xf32>
    %min3A_82 = arith.minimumf %slice3A_80, %slice3A_81 : vector<256x128xf32>
    %slice3A_83 = vector.extract_strided_slice %add3A_58 {offsets = [0, 1792], sizes = [256, 128], strides = [1, 1]} : vector<256x8192xf32> to vector<256x128xf32>
    %slice3A_84 = vector.extract_strided_slice %add3A_58 {offsets = [0, 1920], sizes = [256, 128], strides = [1, 1]} : vector<256x8192xf32> to vector<256x128xf32>
    %min3A_85 = arith.minimumf %slice3A_83, %slice3A_84 : vector<256x128xf32>
    %min3A_86 = arith.minimumf %min3A_82, %min3A_85 : vector<256x128xf32>
    %min3A_87 = arith.minimumf %min3A_79, %min3A_86 : vector<256x128xf32>
    %min3A_88 = arith.minimumf %min3A_72, %min3A_87 : vector<256x128xf32>
    %slice3A_89 = vector.extract_strided_slice %add3A_58 {offsets = [0, 2048], sizes = [256, 128], strides = [1, 1]} : vector<256x8192xf32> to vector<256x128xf32>
    %slice3A_90 = vector.extract_strided_slice %add3A_58 {offsets = [0, 2176], sizes = [256, 128], strides = [1, 1]} : vector<256x8192xf32> to vector<256x128xf32>
    %min3A_91 = arith.minimumf %slice3A_89, %slice3A_90 : vector<256x128xf32>
    %slice3A_92 = vector.extract_strided_slice %add3A_58 {offsets = [0, 2304], sizes = [256, 128], strides = [1, 1]} : vector<256x8192xf32> to vector<256x128xf32>
    %slice3A_93 = vector.extract_strided_slice %add3A_58 {offsets = [0, 2432], sizes = [256, 128], strides = [1, 1]} : vector<256x8192xf32> to vector<256x128xf32>
    %min3A_94 = arith.minimumf %slice3A_92, %slice3A_93 : vector<256x128xf32>
    %min3A_95 = arith.minimumf %min3A_91, %min3A_94 : vector<256x128xf32>
    %slice3A_96 = vector.extract_strided_slice %add3A_58 {offsets = [0, 2560], sizes = [256, 128], strides = [1, 1]} : vector<256x8192xf32> to vector<256x128xf32>
    %min3A_97 = arith.minimumf %min3A_95, %slice3A_96 : vector<256x128xf32>
    %min3A_98 = arith.minimumf %min3A_88, %min3A_97 : vector<256x128xf32>
    %reduce_min3A = arith.constant dense<0x7F800000> : vector<256xf32>
    %reduce_min3A_99 = vector.multi_reduction <minimumf>, %min3A_98, %reduce_min3A [1] : vector<256x128xf32> to vector<256xf32>
    %broadcast_in_dim3A = vector.shape_cast %reduce_min3A_99 : vector<256xf32> to vector<256x1xf32>
    %slice3A_100 = vector.extract_strided_slice %add3A_58 {offsets = [0, 2688], sizes = [256, 48], strides = [1, 1]} : vector<256x8192xf32> to vector<256x48xf32>
    %reduce_min3A_101 = arith.constant dense<0x7F800000> : vector<256xf32>
    %reduce_min3A_102 = vector.multi_reduction <minimumf>, %slice3A_100, %reduce_min3A_101 [1] : vector<256x48xf32> to vector<256xf32>
    %broadcast_in_dim3A_103 = vector.shape_cast %reduce_min3A_102 : vector<256xf32> to vector<256x1xf32>
    %min3A_104 = arith.minimumf %broadcast_in_dim3A, %broadcast_in_dim3A_103 : vector<256x1xf32>
    %slice3A_105 = vector.extract_strided_slice %add3A_58 {offsets = [0, 2736], sizes = [256, 80], strides = [1, 1]} : vector<256x8192xf32> to vector<256x80xf32>
    %reduce_min3A_106 = arith.constant dense<0x7F800000> : vector<256xf32>
    %reduce_min3A_107 = vector.multi_reduction <minimumf>, %slice3A_105, %reduce_min3A_106 [1] : vector<256x80xf32> to vector<256xf32>
    %broadcast_in_dim3A_108 = vector.shape_cast %reduce_min3A_107 : vector<256xf32> to vector<256x1xf32>
    %slice3A_109 = vector.extract_strided_slice %add3A_58 {offsets = [0, 2816], sizes = [256, 128], strides = [1, 1]} : vector<256x8192xf32> to vector<256x128xf32>
    %slice3A_110 = vector.extract_strided_slice %add3A_58 {offsets = [0, 2944], sizes = [256, 128], strides = [1, 1]} : vector<256x8192xf32> to vector<256x128xf32>
    %min3A_111 = arith.minimumf %slice3A_109, %slice3A_110 : vector<256x128xf32>
    %slice3A_112 = vector.extract_strided_slice %add3A_58 {offsets = [0, 3072], sizes = [256, 128], strides = [1, 1]} : vector<256x8192xf32> to vector<256x128xf32>
    %slice3A_113 = vector.extract_strided_slice %add3A_58 {offsets = [0, 3200], sizes = [256, 128], strides = [1, 1]} : vector<256x8192xf32> to vector<256x128xf32>
    %min3A_114 = arith.minimumf %slice3A_112, %slice3A_113 : vector<256x128xf32>
    %min3A_115 = arith.minimumf %min3A_111, %min3A_114 : vector<256x128xf32>
    %slice3A_116 = vector.extract_strided_slice %add3A_58 {offsets = [0, 3328], sizes = [256, 128], strides = [1, 1]} : vector<256x8192xf32> to vector<256x128xf32>
    %slice3A_117 = vector.extract_strided_slice %add3A_58 {offsets = [0, 3456], sizes = [256, 128], strides = [1, 1]} : vector<256x8192xf32> to vector<256x128xf32>
    %min3A_118 = arith.minimumf %slice3A_116, %slice3A_117 : vector<256x128xf32>
    %slice3A_119 = vector.extract_strided_slice %add3A_58 {offsets = [0, 3584], sizes = [256, 128], strides = [1, 1]} : vector<256x8192xf32> to vector<256x128xf32>
    %slice3A_120 = vector.extract_strided_slice %add3A_58 {offsets = [0, 3712], sizes = [256, 128], strides = [1, 1]} : vector<256x8192xf32> to vector<256x128xf32>
    %min3A_121 = arith.minimumf %slice3A_119, %slice3A_120 : vector<256x128xf32>
    %min3A_122 = arith.minimumf %min3A_118, %min3A_121 : vector<256x128xf32>
    %min3A_123 = arith.minimumf %min3A_115, %min3A_122 : vector<256x128xf32>
    %slice3A_124 = vector.extract_strided_slice %add3A_58 {offsets = [0, 3840], sizes = [256, 128], strides = [1, 1]} : vector<256x8192xf32> to vector<256x128xf32>
    %slice3A_125 = vector.extract_strided_slice %add3A_58 {offsets = [0, 3968], sizes = [256, 128], strides = [1, 1]} : vector<256x8192xf32> to vector<256x128xf32>
    %min3A_126 = arith.minimumf %slice3A_124, %slice3A_125 : vector<256x128xf32>
    %slice3A_127 = vector.extract_strided_slice %add3A_58 {offsets = [0, 4096], sizes = [256, 128], strides = [1, 1]} : vector<256x8192xf32> to vector<256x128xf32>
    %slice3A_128 = vector.extract_strided_slice %add3A_58 {offsets = [0, 4224], sizes = [256, 128], strides = [1, 1]} : vector<256x8192xf32> to vector<256x128xf32>
    %min3A_129 = arith.minimumf %slice3A_127, %slice3A_128 : vector<256x128xf32>
    %min3A_130 = arith.minimumf %min3A_126, %min3A_129 : vector<256x128xf32>
    %slice3A_131 = vector.extract_strided_slice %add3A_58 {offsets = [0, 4352], sizes = [256, 128], strides = [1, 1]} : vector<256x8192xf32> to vector<256x128xf32>
    %slice3A_132 = vector.extract_strided_slice %add3A_58 {offsets = [0, 4480], sizes = [256, 128], strides = [1, 1]} : vector<256x8192xf32> to vector<256x128xf32>
    %min3A_133 = arith.minimumf %slice3A_131, %slice3A_132 : vector<256x128xf32>
    %slice3A_134 = vector.extract_strided_slice %add3A_58 {offsets = [0, 4608], sizes = [256, 128], strides = [1, 1]} : vector<256x8192xf32> to vector<256x128xf32>
    %slice3A_135 = vector.extract_strided_slice %add3A_58 {offsets = [0, 4736], sizes = [256, 128], strides = [1, 1]} : vector<256x8192xf32> to vector<256x128xf32>
    %min3A_136 = arith.minimumf %slice3A_134, %slice3A_135 : vector<256x128xf32>
    %min3A_137 = arith.minimumf %min3A_133, %min3A_136 : vector<256x128xf32>
    %min3A_138 = arith.minimumf %min3A_130, %min3A_137 : vector<256x128xf32>
    %min3A_139 = arith.minimumf %min3A_123, %min3A_138 : vector<256x128xf32>
    %slice3A_140 = vector.extract_strided_slice %add3A_58 {offsets = [0, 4864], sizes = [256, 128], strides = [1, 1]} : vector<256x8192xf32> to vector<256x128xf32>
    %slice3A_141 = vector.extract_strided_slice %add3A_58 {offsets = [0, 4992], sizes = [256, 128], strides = [1, 1]} : vector<256x8192xf32> to vector<256x128xf32>
    %min3A_142 = arith.minimumf %slice3A_140, %slice3A_141 : vector<256x128xf32>
    %slice3A_143 = vector.extract_strided_slice %add3A_58 {offsets = [0, 5120], sizes = [256, 128], strides = [1, 1]} : vector<256x8192xf32> to vector<256x128xf32>
    %slice3A_144 = vector.extract_strided_slice %add3A_58 {offsets = [0, 5248], sizes = [256, 128], strides = [1, 1]} : vector<256x8192xf32> to vector<256x128xf32>
    %min3A_145 = arith.minimumf %slice3A_143, %slice3A_144 : vector<256x128xf32>
    %min3A_146 = arith.minimumf %min3A_142, %min3A_145 : vector<256x128xf32>
    %min3A_147 = arith.minimumf %min3A_139, %min3A_146 : vector<256x128xf32>
    %reduce_min3A_148 = arith.constant dense<0x7F800000> : vector<256xf32>
    %reduce_min3A_149 = vector.multi_reduction <minimumf>, %min3A_147, %reduce_min3A_148 [1] : vector<256x128xf32> to vector<256xf32>
    %broadcast_in_dim3A_150 = vector.shape_cast %reduce_min3A_149 : vector<256xf32> to vector<256x1xf32>
    %min3A_151 = arith.minimumf %broadcast_in_dim3A_108, %broadcast_in_dim3A_150 : vector<256x1xf32>
    %slice3A_152 = vector.extract_strided_slice %add3A_58 {offsets = [0, 5376], sizes = [256, 96], strides = [1, 1]} : vector<256x8192xf32> to vector<256x96xf32>
    %reduce_min3A_153 = arith.constant dense<0x7F800000> : vector<256xf32>
    %reduce_min3A_154 = vector.multi_reduction <minimumf>, %slice3A_152, %reduce_min3A_153 [1] : vector<256x96xf32> to vector<256xf32>
    %broadcast_in_dim3A_155 = vector.shape_cast %reduce_min3A_154 : vector<256xf32> to vector<256x1xf32>
    %min3A_156 = arith.minimumf %min3A_151, %broadcast_in_dim3A_155 : vector<256x1xf32>
    %slice3A_157 = vector.extract_strided_slice %add3A_58 {offsets = [0, 5472], sizes = [256, 32], strides = [1, 1]} : vector<256x8192xf32> to vector<256x32xf32>
    %reduce_min3A_158 = arith.constant dense<0x7F800000> : vector<256xf32>
    %reduce_min3A_159 = vector.multi_reduction <minimumf>, %slice3A_157, %reduce_min3A_158 [1] : vector<256x32xf32> to vector<256xf32>
    %broadcast_in_dim3A_160 = vector.shape_cast %reduce_min3A_159 : vector<256xf32> to vector<256x1xf32>
    %slice3A_161 = vector.extract_strided_slice %add3A_58 {offsets = [0, 5504], sizes = [256, 128], strides = [1, 1]} : vector<256x8192xf32> to vector<256x128xf32>
    %slice3A_162 = vector.extract_strided_slice %add3A_58 {offsets = [0, 5632], sizes = [256, 128], strides = [1, 1]} : vector<256x8192xf32> to vector<256x128xf32>
    %min3A_163 = arith.minimumf %slice3A_161, %slice3A_162 : vector<256x128xf32>
    %slice3A_164 = vector.extract_strided_slice %add3A_58 {offsets = [0, 5760], sizes = [256, 128], strides = [1, 1]} : vector<256x8192xf32> to vector<256x128xf32>
    %slice3A_165 = vector.extract_strided_slice %add3A_58 {offsets = [0, 5888], sizes = [256, 128], strides = [1, 1]} : vector<256x8192xf32> to vector<256x128xf32>
    %min3A_166 = arith.minimumf %slice3A_164, %slice3A_165 : vector<256x128xf32>
    %min3A_167 = arith.minimumf %min3A_163, %min3A_166 : vector<256x128xf32>
    %slice3A_168 = vector.extract_strided_slice %add3A_58 {offsets = [0, 6016], sizes = [256, 128], strides = [1, 1]} : vector<256x8192xf32> to vector<256x128xf32>
    %slice3A_169 = vector.extract_strided_slice %add3A_58 {offsets = [0, 6144], sizes = [256, 128], strides = [1, 1]} : vector<256x8192xf32> to vector<256x128xf32>
    %min3A_170 = arith.minimumf %slice3A_168, %slice3A_169 : vector<256x128xf32>
    %slice3A_171 = vector.extract_strided_slice %add3A_58 {offsets = [0, 6272], sizes = [256, 128], strides = [1, 1]} : vector<256x8192xf32> to vector<256x128xf32>
    %slice3A_172 = vector.extract_strided_slice %add3A_58 {offsets = [0, 6400], sizes = [256, 128], strides = [1, 1]} : vector<256x8192xf32> to vector<256x128xf32>
    %min3A_173 = arith.minimumf %slice3A_171, %slice3A_172 : vector<256x128xf32>
    %min3A_174 = arith.minimumf %min3A_170, %min3A_173 : vector<256x128xf32>
    %min3A_175 = arith.minimumf %min3A_167, %min3A_174 : vector<256x128xf32>
    %slice3A_176 = vector.extract_strided_slice %add3A_58 {offsets = [0, 6528], sizes = [256, 128], strides = [1, 1]} : vector<256x8192xf32> to vector<256x128xf32>
    %slice3A_177 = vector.extract_strided_slice %add3A_58 {offsets = [0, 6656], sizes = [256, 128], strides = [1, 1]} : vector<256x8192xf32> to vector<256x128xf32>
    %min3A_178 = arith.minimumf %slice3A_176, %slice3A_177 : vector<256x128xf32>
    %slice3A_179 = vector.extract_strided_slice %add3A_58 {offsets = [0, 6784], sizes = [256, 128], strides = [1, 1]} : vector<256x8192xf32> to vector<256x128xf32>
    %slice3A_180 = vector.extract_strided_slice %add3A_58 {offsets = [0, 6912], sizes = [256, 128], strides = [1, 1]} : vector<256x8192xf32> to vector<256x128xf32>
    %min3A_181 = arith.minimumf %slice3A_179, %slice3A_180 : vector<256x128xf32>
    %min3A_182 = arith.minimumf %min3A_178, %min3A_181 : vector<256x128xf32>
    %slice3A_183 = vector.extract_strided_slice %add3A_58 {offsets = [0, 7040], sizes = [256, 128], strides = [1, 1]} : vector<256x8192xf32> to vector<256x128xf32>
    %slice3A_184 = vector.extract_strided_slice %add3A_58 {offsets = [0, 7168], sizes = [256, 128], strides = [1, 1]} : vector<256x8192xf32> to vector<256x128xf32>
    %min3A_185 = arith.minimumf %slice3A_183, %slice3A_184 : vector<256x128xf32>
    %slice3A_186 = vector.extract_strided_slice %add3A_58 {offsets = [0, 7296], sizes = [256, 128], strides = [1, 1]} : vector<256x8192xf32> to vector<256x128xf32>
    %slice3A_187 = vector.extract_strided_slice %add3A_58 {offsets = [0, 7424], sizes = [256, 128], strides = [1, 1]} : vector<256x8192xf32> to vector<256x128xf32>
    %min3A_188 = arith.minimumf %slice3A_186, %slice3A_187 : vector<256x128xf32>
    %min3A_189 = arith.minimumf %min3A_185, %min3A_188 : vector<256x128xf32>
    %min3A_190 = arith.minimumf %min3A_182, %min3A_189 : vector<256x128xf32>
    %min3A_191 = arith.minimumf %min3A_175, %min3A_190 : vector<256x128xf32>
    %slice3A_192 = vector.extract_strided_slice %add3A_58 {offsets = [0, 7552], sizes = [256, 128], strides = [1, 1]} : vector<256x8192xf32> to vector<256x128xf32>
    %slice3A_193 = vector.extract_strided_slice %add3A_58 {offsets = [0, 7680], sizes = [256, 128], strides = [1, 1]} : vector<256x8192xf32> to vector<256x128xf32>
    %min3A_194 = arith.minimumf %slice3A_192, %slice3A_193 : vector<256x128xf32>
    %slice3A_195 = vector.extract_strided_slice %add3A_58 {offsets = [0, 7808], sizes = [256, 128], strides = [1, 1]} : vector<256x8192xf32> to vector<256x128xf32>
    %slice3A_196 = vector.extract_strided_slice %add3A_58 {offsets = [0, 7936], sizes = [256, 128], strides = [1, 1]} : vector<256x8192xf32> to vector<256x128xf32>
    %min3A_197 = arith.minimumf %slice3A_195, %slice3A_196 : vector<256x128xf32>
    %min3A_198 = arith.minimumf %min3A_194, %min3A_197 : vector<256x128xf32>
    %slice3A_199 = vector.extract_strided_slice %add3A_58 {offsets = [0, 8064], sizes = [256, 128], strides = [1, 1]} : vector<256x8192xf32> to vector<256x128xf32>
    %min3A_200 = arith.minimumf %min3A_198, %slice3A_199 : vector<256x128xf32>
    %min3A_201 = arith.minimumf %min3A_191, %min3A_200 : vector<256x128xf32>
    %reduce_min3A_202 = arith.constant dense<0x7F800000> : vector<256xf32>
    %reduce_min3A_203 = vector.multi_reduction <minimumf>, %min3A_201, %reduce_min3A_202 [1] : vector<256x128xf32> to vector<256xf32>
    %broadcast_in_dim3A_204 = vector.shape_cast %reduce_min3A_203 : vector<256xf32> to vector<256x1xf32>
    %min3A_205 = arith.minimumf %broadcast_in_dim3A_160, %broadcast_in_dim3A_204 : vector<256x1xf32>
    %convert_element_type3A_206 = arith.truncf %min3A_104 : vector<256x1xf32> to vector<256x1xbf16>
    %convert_element_type3A_207 = arith.extf %convert_element_type3A_206 : vector<256x1xbf16> to vector<256x1xf32>
    %broadcast_in_dim3A_208 = arith.constant 0 : i32
    %broadcast_in_dim3A_209 = vector.broadcast %broadcast_in_dim3A_208 : i32 to vector<256x1xi32>
    %lt3A = arith.cmpf olt, %min3A_156, %convert_element_type3A_207 : vector<256x1xf32>
    %convert_element_type3A_210 = arith.truncf %min3A_156 : vector<256x1xf32> to vector<256x1xbf16>
    %convert_element_type3A_211 = arith.extf %convert_element_type3A_210 : vector<256x1xbf16> to vector<256x1xf32>
    %select_n3A = arith.select %lt3A, %convert_element_type3A_211, %convert_element_type3A_207 : vector<256x1xi1>, vector<256x1xf32>
    %select_n3A_212 = arith.select %lt3A, %min3A_156, %min3A_104 : vector<256x1xi1>, vector<256x1xf32>
    %jit3A = arith.constant 1 : i32
    %broadcast_in_dim3A_213 = vector.broadcast %jit3A : i32 to vector<256x1xi32>
    %select_n3A_214 = arith.select %lt3A, %broadcast_in_dim3A_213, %broadcast_in_dim3A_209 : vector<256x1xi1>, vector<256x1xi32>
    %lt3A_215 = arith.cmpf olt, %min3A_205, %select_n3A : vector<256x1xf32>
    %select_n3A_216 = arith.select %lt3A_215, %min3A_205, %select_n3A_212 : vector<256x1xi1>, vector<256x1xf32>
    %jit3A_217 = arith.constant 2 : i32
    %broadcast_in_dim3A_218 = vector.broadcast %jit3A_217 : i32 to vector<256x1xi32>
    %select_n3A_219 = arith.select %lt3A_215, %broadcast_in_dim3A_218, %select_n3A_214 : vector<256x1xi1>, vector<256x1xi32>
    %eq3A_220 = vector.broadcast %select_n3A_216 : vector<256x1xf32> to vector<256x8192xf32>
    %eq3A_221 = arith.cmpf oeq, %add3A_58, %eq3A_220 : vector<256x8192xf32>
    %get3A_222 = arith.constant 0 : index
    %get3A_223 = arith.constant 0 : index
    %get3A_224 = vector.load %arg8[%get3A_222, %get3A_223] : memref<1x8192xf32, #tpu.memory_space<vmem>>, vector<1x8192xf32>
    %jit3A_225 = arith.constant 1.000000e+09 : f32
    %broadcast_in_dim3A_226 = vector.shape_cast %get3A_224 : vector<1x8192xf32> to vector<1x8192xf32>
    %broadcast_in_dim3A_227 = vector.broadcast %broadcast_in_dim3A_226 : vector<1x8192xf32> to vector<256x8192xf32>
    %broadcast_in_dim3A_228 = vector.broadcast %jit3A_225 : f32 to vector<256x8192xf32>
    %select_n3A_229 = arith.select %eq3A_221, %broadcast_in_dim3A_227, %broadcast_in_dim3A_228 : vector<256x8192xi1>, vector<256x8192xf32>
    %reduce_min3A_230 = arith.constant dense<0x7F800000> : vector<256xf32>
    %reduce_min3A_231 = vector.multi_reduction <minimumf>, %select_n3A_229, %reduce_min3A_230 [1] : vector<256x8192xf32> to vector<256xf32>
    %broadcast_in_dim3A_232 = vector.shape_cast %reduce_min3A_231 : vector<256xf32> to vector<256x1xf32>
    %convert_element_type3A_233 = arith.fptosi %broadcast_in_dim3A_232 : vector<256x1xf32> to vector<256x1xi32>
    %mul3A_234 = arith.constant 8192 : i32
    %mul3A_235 = vector.broadcast %mul3A_234 : i32 to vector<256x1xi32>
    %mul3A_236 = arith.muli %select_n3A_219, %mul3A_235 : vector<256x1xi32>
    %sub3A = arith.subi %convert_element_type3A_233, %mul3A_236 : vector<256x1xi32>
    %swap3A = arith.constant 0 : index
    %swap3A_237 = arith.constant 0 : index
    %swap3A_238 = vector.load %arg9[%swap3A, %swap3A_237] : memref<256x1xi32, #tpu.memory_space<vmem>>, vector<256x1xi32>
    tpu.vector_store %arg9[%swap3A, %swap3A_237], %sub3A {strides = array<i32>} : memref<256x1xi32, #tpu.memory_space<vmem>>, vector<256x1xi32>,
    %get3A_239 = arith.constant 0 : index
    %get3A_240 = arith.constant 0 : index
    %get3A_241 = vector.load %arg9[%get3A_239, %get3A_240] : memref<256x1xi32, #tpu.memory_space<vmem>>, vector<256x1xi32>
    %lt3A_242 = arith.constant 0 : i32
    %lt3A_243 = vector.broadcast %lt3A_242 : i32 to vector<256x1xi32>
    %lt3A_244 = arith.cmpi slt, %get3A_241, %lt3A_243 : vector<256x1xi32>
    %reduce_or3A = arith.constant 1.000000e+00 : f32
    %reduce_or3A_245 = arith.constant 0.000000e+00 : f32
    %reduce_or3A_246 = vector.broadcast %reduce_or3A : f32 to vector<256x1xf32>
    %reduce_or3A_247 = vector.broadcast %reduce_or3A_245 : f32 to vector<256x1xf32>
    %reduce_or3A_248 = arith.select %lt3A_244, %reduce_or3A_246, %reduce_or3A_247 : vector<256x1xi1>, vector<256x1xf32>
    %reduce_or3A_249 = vector.shape_cast %reduce_or3A_248 : vector<256x1xf32> to vector<1x256x1xf32>
    %reduce_or3A_250 = arith.constant dense<0xFF800000> : vector<1xf32>
    %reduce_or3A_251 = vector.multi_reduction <maximumf>, %reduce_or3A_249, %reduce_or3A_250 [1, 2] : vector<1x256x1xf32> to vector<1xf32>
    %reduce_or3A_252 = vector.shape_cast %reduce_or3A_251 : vector<1xf32> to vector<1x1x1xf32>
    %reduce_or3A_253 = vector.extract %reduce_or3A_252[0, 0, 0] : f32 from vector<1x1x1xf32>
    %reduce_or3A_254 = arith.constant 0.000000e+00 : f32
    %reduce_or3A_255 = arith.cmpf ogt, %reduce_or3A_253, %reduce_or3A_254 : f32
    %convert_element_type3A_256 = arith.extui %reduce_or3A_255 : i1 to i32
    %cond3A_257 = arith.constant 0 : i32
    %cond3A_258 = arith.cmpi ne, %convert_element_type3A_256, %cond3A_257 : i32
    scf.if %cond3A_258 {
      %iota3A_299 = tpu.iota {dimensions = array<i32: 1>} : vector<256x8192xi32>
      %ge3A = arith.constant 2736 : i32
      %ge3A_300 = vector.broadcast %ge3A : i32 to vector<256x8192xi32>
      %ge3A_301 = arith.cmpi sge, %iota3A_299, %ge3A_300 : vector<256x8192xi32>
      %convert_element_type3A_302 = arith.extui %ge3A_301 : vector<256x8192xi1> to vector<256x8192xi32>
      %ge3A_303 = arith.constant 5472 : i32
      %ge3A_304 = vector.broadcast %ge3A_303 : i32 to vector<256x8192xi32>
      %ge3A_305 = arith.cmpi sge, %iota3A_299, %ge3A_304 : vector<256x8192xi32>
      %convert_element_type3A_306 = arith.extui %ge3A_305 : vector<256x8192xi1> to vector<256x8192xi32>
      %add3A_307 = arith.addi %convert_element_type3A_302, %convert_element_type3A_306 : vector<256x8192xi32>
      %eq3A_308 = vector.broadcast %select_n3A_219 : vector<256x1xi32> to vector<256x8192xi32>
      %eq3A_309 = arith.cmpi eq, %add3A_307, %eq3A_308 : vector<256x8192xi32>
      %eq3A_310 = vector.broadcast %select_n3A_216 : vector<256x1xf32> to vector<256x8192xf32>
      %eq3A_311 = arith.cmpf oeq, %add3A_58, %eq3A_310 : vector<256x8192xf32>
      %and3A = arith.andi %eq3A_309, %eq3A_311 : vector<256x8192xi1>
      %jit3A_312 = arith.constant 8192 : i32
      %broadcast_in_dim3A_313 = vector.broadcast %jit3A_312 : i32 to vector<256x8192xi32>
      %select_n3A_314 = arith.select %and3A, %iota3A_299, %broadcast_in_dim3A_313 : vector<256x8192xi1>, vector<256x8192xi32>
      %reduce_min3A_315 = arith.constant dense<2147483647> : vector<256xi32>
      %reduce_min3A_316 = vector.multi_reduction <minsi>, %select_n3A_314, %reduce_min3A_315 [1] : vector<256x8192xi32> to vector<256xi32>
      %broadcast_in_dim3A_317 = vector.shape_cast %reduce_min3A_316 : vector<256xi32> to vector<256x1xi32>
      %swap3A_318 = arith.constant 0 : index
      %swap3A_319 = arith.constant 0 : index
      %swap3A_320 = vector.load %arg9[%swap3A_318, %swap3A_319] : memref<256x1xi32, #tpu.memory_space<vmem>>, vector<256x1xi32>
      tpu.vector_store %arg9[%swap3A_318, %swap3A_319], %broadcast_in_dim3A_317 {strides = array<i32>} : memref<256x1xi32, #tpu.memory_space<vmem>>, vector<256x1xi32>,
    } else {
    }
    %get3A_259 = arith.constant 0 : index
    %get3A_260 = arith.constant 0 : index
    %get3A_261 = vector.load %arg9[%get3A_259, %get3A_260] : memref<256x1xi32, #tpu.memory_space<vmem>>, vector<256x1xi32>
    %squeeze3A = vector.shape_cast %get3A_261 : vector<256x1xi32> to vector<256xi32>
    %iota3A = tpu.iota {dimensions = array<i32: 1>} : vector<256x8192xi32>
    %broadcast_in_dim3A_262 = vector.shape_cast %squeeze3A : vector<256xi32> to vector<256x1xi32>
    %eq3A_263 = vector.broadcast %broadcast_in_dim3A_262 : vector<256x1xi32> to vector<256x8192xi32>
    %eq3A_264 = arith.cmpi eq, %iota3A, %eq3A_263 : vector<256x8192xi32>
    %convert_element_type3A_265 = arith.extui %eq3A_264 : vector<256x8192xi1> to vector<256x8192xi32>
    %convert_element_type3A_266 = arith.sitofp %convert_element_type3A_265 : vector<256x8192xi32> to vector<256x8192xf32>
    %get3A_267 = arith.constant 0 : index
    %get3A_268 = arith.constant 0 : index
    %get3A_269 = vector.load %arg9[%get3A_267, %get3A_268] : memref<256x1xi32, #tpu.memory_space<vmem>>, vector<256x1xi32>
    %transpose3A = tpu.transpose %get3A_269, [1, 0] : vector<256x1xi32> -> vector<1x256xi32>
    %broadcast_in_dim3A_270 = vector.shape_cast %transpose3A : vector<1x256xi32> to vector<1x1x256xi32>
    %swap3A_271 = arith.constant 0 : index
    %swap3A_272 = arith.constant 0 : index
    %swap3A_273 = arith.constant 0 : index
    %swap3A_274 = vector.load %arg4[%swap3A_271, %swap3A_272, %swap3A_273] : memref<1x1x256xi32, #tpu.memory_space<vmem>>, vector<1x1x256xi32>
    tpu.vector_store %arg4[%swap3A_271, %swap3A_272, %swap3A_273], %broadcast_in_dim3A_270 {strides = array<i32>} : memref<1x1x256xi32, #tpu.memory_space<vmem>>, vector<1x1x256xi32>,
    %swap3A_275 = arith.constant 0 : index
    %swap3A_276 = arith.constant 0 : index
    %swap3A_277 = vector.load %arg5[%swap3A_275, %swap3A_276] : memref<256x8192xf32, #tpu.memory_space<vmem>>, vector<256x8192xf32>
    tpu.vector_store %arg5[%swap3A_275, %swap3A_276], %convert_element_type3A_266 {strides = array<i32>} : memref<256x8192xf32, #tpu.memory_space<vmem>>, vector<256x8192xf32>,
    %get3A_278 = arith.constant 0 : index
    %get3A_279 = arith.constant 0 : index
    %get3A_280 = vector.load %arg10[%get3A_278, %get3A_279] : memref<1x8192xf32, #tpu.memory_space<vmem>>, vector<1x8192xf32>
    %reduce_sum3A = arith.constant dense<0.000000e+00> : vector<8192xf32>
    %reduce_sum3A_281 = vector.multi_reduction <add>, %convert_element_type3A_266, %reduce_sum3A [0] : vector<256x8192xf32> to vector<8192xf32>
    %broadcast_in_dim3A_282 = vector.shape_cast %reduce_sum3A_281 : vector<8192xf32> to vector<1x8192xf32>
    %add3A_283 = arith.addf %get3A_280, %broadcast_in_dim3A_282 : vector<1x8192xf32>
    %swap3A_284 = arith.constant 0 : index
    %swap3A_285 = arith.constant 0 : index
    %swap3A_286 = vector.load %arg10[%swap3A_284, %swap3A_285] : memref<1x8192xf32, #tpu.memory_space<vmem>>, vector<1x8192xf32>
    tpu.vector_store %arg10[%swap3A_284, %swap3A_285], %add3A_283 {strides = array<i32>} : memref<1x8192xf32, #tpu.memory_space<vmem>>, vector<1x8192xf32>,
    %get3A_287 = arith.constant 0 : index
    %get3A_288 = arith.constant 0 : index
    %get3A_289 = vector.load %arg11[%get3A_287, %get3A_288] : memref<256x1xf32, #tpu.memory_space<vmem>>, vector<256x1xf32>
    %add3A_290 = arith.addf %get3A_289, %select_n3A_216 : vector<256x1xf32>
    %swap3A_291 = arith.constant 0 : index
    %swap3A_292 = arith.constant 0 : index
    %swap3A_293 = vector.load %arg11[%swap3A_291, %swap3A_292] : memref<256x1xf32, #tpu.memory_space<vmem>>, vector<256x1xf32>
    tpu.vector_store %arg11[%swap3A_291, %swap3A_292], %add3A_290 {strides = array<i32>} : memref<256x1xf32, #tpu.memory_space<vmem>>, vector<256x1xf32>,
    %eq3A_294 = arith.constant 63 : i32
    %eq3A_295 = arith.cmpi eq, %arg0, %eq3A_294 : i32
    %convert_element_type3A_296 = arith.extui %eq3A_295 : i1 to i32
    %cond3A_297 = arith.constant 0 : i32
    %cond3A_298 = arith.cmpi ne, %convert_element_type3A_296, %cond3A_297 : i32
    scf.if %cond3A_298 {
      %get3A_299 = arith.constant 0 : index
      %get3A_300 = arith.constant 0 : index
      %get3A_301 = vector.load %arg11[%get3A_299, %get3A_300] : memref<256x1xf32, #tpu.memory_space<vmem>>, vector<256x1xf32>
      %reduce_sum3A_302 = vector.shape_cast %get3A_301 : vector<256x1xf32> to vector<1x256x1xf32>
      %reduce_sum3A_303 = arith.constant dense<0.000000e+00> : vector<1xf32>
      %reduce_sum3A_304 = vector.multi_reduction <add>, %reduce_sum3A_302, %reduce_sum3A_303 [1, 2] : vector<1x256x1xf32> to vector<1xf32>
      %reduce_sum3A_305 = vector.shape_cast %reduce_sum3A_304 : vector<1xf32> to vector<1x1x1xf32>
      %reduce_sum3A_306 = vector.extract %reduce_sum3A_305[0, 0, 0] : f32 from vector<1x1x1xf32>
      %mul3A_307 = arith.constant 5.96046448E-8 : f32
      %mul3A_308 = arith.mulf %reduce_sum3A_306, %mul3A_307 : f32
      %broadcast_in_dim3A_309 = vector.broadcast %mul3A_308 : f32 to vector<1x1xf32>
      %swap3A_310 = arith.constant 0 : index
      %swap3A_311 = arith.constant 0 : index
      %swap3A_312 = vector.load %arg6[%swap3A_310, %swap3A_311] : memref<1x1xf32, #tpu.memory_space<vmem>>, vector<1x1xf32>
      tpu.vector_store %arg6[%swap3A_310, %swap3A_311], %broadcast_in_dim3A_309 {strides = array<i32>} : memref<1x1xf32, #tpu.memory_space<vmem>>, vector<1x1xf32>,
      %get3A_313 = arith.constant 0 : index
      %get3A_314 = arith.constant 0 : index
      %get3A_315 = vector.load %arg10[%get3A_313, %get3A_314] : memref<1x8192xf32, #tpu.memory_space<vmem>>, vector<1x8192xf32>
      %mul3A_316 = arith.constant 6.10351563E-5 : f32
      %mul3A_317 = vector.broadcast %mul3A_316 : f32 to vector<1x8192xf32>
      %mul3A_318 = arith.mulf %get3A_315, %mul3A_317 : vector<1x8192xf32>
      %add3A_319 = arith.constant 1.000000e-10 : f32
      %add3A_320 = vector.broadcast %add3A_319 : f32 to vector<1x8192xf32>
      %add3A_321 = arith.addf %mul3A_318, %add3A_320 : vector<1x8192xf32>
      %log3A = math.log %add3A_321 : vector<1x8192xf32>
      %mul3A_322 = arith.mulf %mul3A_318, %log3A : vector<1x8192xf32>
      %reduce_sum3A_323 = vector.shape_cast %mul3A_322 : vector<1x8192xf32> to vector<1x1x8192xf32>
      %reduce_sum3A_324 = arith.constant dense<0.000000e+00> : vector<1xf32>
      %reduce_sum3A_325 = vector.multi_reduction <add>, %reduce_sum3A_323, %reduce_sum3A_324 [1, 2] : vector<1x1x8192xf32> to vector<1xf32>
      %reduce_sum3A_326 = vector.shape_cast %reduce_sum3A_325 : vector<1xf32> to vector<1x1x1xf32>
      %reduce_sum3A_327 = vector.extract %reduce_sum3A_326[0, 0, 0] : f32 from vector<1x1x1xf32>
      %neg3A = arith.constant 0.000000e+00 : f32
      %neg3A_328 = arith.subf %neg3A, %reduce_sum3A_327 : f32
      %exp3A = math.exp %neg3A_328 : f32
      %broadcast_in_dim3A_329 = vector.broadcast %exp3A : f32 to vector<1x1xf32>
      %swap3A_330 = arith.constant 0 : index
      %swap3A_331 = arith.constant 0 : index
      %swap3A_332 = vector.load %arg7[%swap3A_330, %swap3A_331] : memref<1x1xf32, #tpu.memory_space<vmem>>, vector<1x1xf32>
      tpu.vector_store %arg7[%swap3A_330, %swap3A_331], %broadcast_in_dim3A_329 {strides = array<i32>} : memref<1x1xf32, #tpu.memory_space<vmem>>, vector<1x1xf32>,
    } else {
    }
    return
  }
  func.func @transform_0(%arg0: i32) -> (i32, i32) {
    %c0_i32 = arith.constant 0 : i32
    %c0_i32_0 = arith.constant 0 : i32
    return %arg0, %c0_i32 : i32, i32
  }
  func.func @transform_1(%arg0: i32) -> (i32, i32) {
    %c0_i32 = arith.constant 0 : i32
    %c0_i32_0 = arith.constant 0 : i32
    %c0_i32_1 = arith.constant 0 : i32
    return %c0_i32, %c0_i32_0 : i32, i32
  }
  func.func @transform_2(%arg0: i32) -> (i32, i32) {
    %c0_i32 = arith.constant 0 : i32
    %c0_i32_0 = arith.constant 0 : i32
    %c0_i32_1 = arith.constant 0 : i32
    return %c0_i32, %c0_i32_0 : i32, i32
  }
  func.func @transform_3(%arg0: i32) -> (i32, i32, i32) {
    %c0_i32 = arith.constant 0 : i32
    %c0_i32_0 = arith.constant 0 : i32
    %c0_i32_1 = arith.constant 0 : i32
    return %arg0, %c0_i32, %c0_i32_0 : i32, i32, i32
  }
  func.func @transform_4(%arg0: i32) -> (i32, i32) {
    %c0_i32 = arith.constant 0 : i32
    %c0_i32_0 = arith.constant 0 : i32
    return %arg0, %c0_i32 : i32, i32
  }
  func.func @transform_5(%arg0: i32) -> (i32, i32) {
    %c0_i32 = arith.constant 0 : i32
    %c0_i32_0 = arith.constant 0 : i32
    %c0_i32_1 = arith.constant 0 : i32
    return %c0_i32, %c0_i32_0 : i32, i32
  }
  func.func @transform_6(%arg0: i32) -> (i32, i32) {
    %c0_i32 = arith.constant 0 : i32
    %c0_i32_0 = arith.constant 0 : i32
    %c0_i32_1 = arith.constant 0 : i32
    return %c0_i32, %c0_i32_0 : i32, i32
  }
}

</mosaic_0001>

<sc_bundles>
// kernel: kernel.5.cloned.1.call-start
scs
__scs_entry_jumppad:
0x0: {  	(pc) =	sbr.rel $0x88, $3  }
0x1: {  	(tag) =	ssettag $0x0;
	lr =	simm.s32 $0x1  }
0x2: {  	[smem:$0x3F9F] =	sst lr;
	_ =	strace $0xD0000000  }
0x3: {  	_ = 	snop  }
0x4: {  	_ = 	snop  }
0x5: {  	_ = 	snop  }
0x6: {  	_ = 	snop  }
0x7: {  	_ = 	snop  }
__scs_overlays_trampoline_lowered:
0x8: {  	[smem:$0x3FAE] =	sst s0  }
0x9: {  	[smem:$0x3FAF] =	sst s1  }
0xa: {  	[smem:$0x3FB0] =	sst s2  }
0xb: {  	[smem:$0x3FB1] =	sst s3  }
0xc: {  	[smem:$0x3FB2] =	sst s4  }
0xd: {  	[smem:$0x3FB3] =	sst s5  }
0xe: {  	[smem:$0x3FB4] =	sst s6  }
0xf: {  	[smem:$0x3FB5] =	sst s7  }
0x10: {  	[smem:$0x3FB6] =	sst s8  }
0x11: {  	[smem:$0x3FB7] =	sst s9;
	s0 =	simm.s32 @!p0 $0x0  }
0x12: {  	s1 =	sld [smem:$0x3F9D];
	s0 =	simm.s32 @p0 $0x1  }
0x13: {  	[smem:$0x3FB8] =	sst s0;
	s0 =	simm.s32 @!p1 $0x0  }
0x14: {  	s2 =	sld [smem:$0x3F9C];
	s0 =	simm.s32 @p1 $0x1  }
0x15: {  	[smem:$0x3FB9] =	sst s0;
	s0 =	simm.s32 @!p2 $0x0  }
0x16: {  	s3 =	sld [smem:$0x3FDB];
	s0 =	simm.s32 @p2 $0x1  }
0x17: {  	s4 =	simm.s32 $0x1BF5;
	[smem:$0x3FBB] =	sst s0  }
0x18: {  	s0 =	sld [smem:$0x3F9E];
	_ =	swait.ge [sflag:s4], $0x0  }
0x19: {  	s7 =	sld [smem:$0x3F9F]  }
0x1a: {  	s8 =	sadd.s32 $0xFFFFE003, lr  }
0x1b: {  	s9 =	sadd.s32 $0xFFFFFEF7, lr;
	s5 =	simm.s32 $0xFFFFFFFF;
	p2 =	slt.u32 s8, $0xFFFFF086  }
0x1c: {  	p1 =	slt.u32 s9, $0xF7A;
	s5 =	simm.s32 @!p2 $0x0  }
0x1d: {  	s5 =	simm.s32 @p1 $0x1;
	p0 =	seq.s32 s7, s2  }
0x1e: {  	s7 =	smul.u32 @!p0 $0xF7A, s2;
	p2 =	seq.s32 @!p0 s5, $0x0  }
0x1f: {  	s9 =	smul.u32 $0xF7A, s1;
	s8 =	simm.s32 @!p0 $0x1BF5;
	p2 =	por !p2, p0  }
0x20: {  	[sflag:s8] =	ssyncset.s32 @!p0 $0xFFFFF086;
	s6 =	sadd.s32 @!p0 s3, s7;
	s7 =	simm.s32 @!p0 $0x108  }
0x21: {  	s3 =	sadd.s32 s3, s9;
	s6 =	sadd.s32 @!p0 $0x88, s6;
	s7 =	simm.s32 @p2 $0x1082  }
0x22: {  	[simem:s7], [sflag:s8] =	dma.local @!p0 [hbm:s6], $0xF7A  }
0x23: {  	s9 =	sor.u32 $0xD0000000, s2;
	s6 =	simm.s32 $0x108;
	_ =	swait.ge @!p0 [sflag:s8], $0x0  }
0x24: {  	s3 =	sadd.s32 $0x88, s3;
	s6 =	simm.s32 @!p1 $0x1082;
	[sflag:s4] =	ssyncset.s32 $0xFFFFF086  }
0x25: {  	[simem:s6], [sflag:s4] =	dma.local [hbm:s3], $0xF7A  }
0x26: {  	[smem:$0x3F9F] =	sst s1;
	(tag) =	ssettag s2;
	_ =	strace s9  }
0x27: {  	s1 =	sld [smem:$0x3FAF]  }
0x28: {  	s2 =	sld [smem:$0x3FB0]  }
0x29: {  	s4 =	sld [smem:$0x3FB2]  }
0x2a: {  	p0 =	seq.s32 s5, $0x0;
	s5 =	sld [smem:$0x3FB3]  }
0x2b: {  	s6 =	sld [smem:$0x3FB4]  }
0x2c: {  	s7 =	sld [smem:$0x3FB5]  }
0x2d: {  	s3 =	simm.s32 $0x108;
	s8 =	sld [smem:$0x3FB6]  }
0x2e: {  	s3 =	simm.s32 @!p0 $0x1082;
	s9 =	sld [smem:$0x3FB7]  }
0x2f: {  	lr =	sadd.s32 s0, s3;
	s0 =	sld [smem:$0x3FAE]  }
0x30: {  	s3 =	sld [smem:$0x3FB1]  }
0x31: {  	[smem:$0x3FBA] =	sst s10  }
0x32: {  	s10 =	sld [smem:$0x3FB8];
	_ =	sdelay $0x3  }
0x33: {  	p0 =	seq.s32 s10, $0x1;
	s10 =	sld [smem:$0x3FBA];
	_ =	sdelay $0x3  }
0x34: {  	[smem:$0x3FBA] =	sst s10  }
0x35: {  	s10 =	sld [smem:$0x3FB9];
	_ =	sdelay $0x3  }
0x36: {  	p1 =	seq.s32 s10, $0x1;
	s10 =	sld [smem:$0x3FBA];
	_ =	sdelay $0x3  }
0x37: {  	[smem:$0x3FBA] =	sst s10  }
0x38: {  	s10 =	sld [smem:$0x3FBB]  }
0x39: {  	_ = 	snop;
	(pc) =	sbr.ind lr, $3  }
0x3a: {  	_ = 	snop  }
0x3b: {  	_ = 	snop  }
0x3c: {  	p2 =	seq.s32 s10, $0x1;
	s10 =	sld [smem:$0x3FBA]  }
0x3d: {  	_ =	shalt  }
0x3e: {  	_ =	shalt  }
0x3f: {  	_ =	shalt  }
0x40: {  	_ =	shalt  }
0x41: {  	_ =	shalt  }
0x42: {  	_ =	shalt  }
0x43: {  	_ =	shalt  }
0x44: {  	_ =	shalt  }
0x45: {  	_ =	shalt  }
0x46: {  	_ =	shalt  }
0x47: {  	_ =	shalt  }
0x48: {  	_ =	shalt  }
0x49: {  	_ =	shalt  }
0x4a: {  	_ =	shalt  }
0x4b: {  	_ =	shalt  }
0x4c: {  	_ =	shalt  }
0x4d: {  	_ =	shalt  }
0x4e: {  	_ =	shalt  }
0x4f: {  	_ =	shalt  }
0x50: {  	_ =	shalt  }
0x51: {  	_ =	shalt  }
0x52: {  	_ =	shalt  }
0x53: {  	_ =	shalt  }
0x54: {  	_ =	shalt  }
0x55: {  	_ =	shalt  }
0x56: {  	_ =	shalt  }
0x57: {  	_ =	shalt  }
0x58: {  	_ =	shalt  }
0x59: {  	_ =	shalt  }
0x5a: {  	_ =	shalt  }
0x5b: {  	_ =	shalt  }
0x5c: {  	_ =	shalt  }
0x5d: {  	_ =	shalt  }
0x5e: {  	_ =	shalt  }
0x5f: {  	_ =	shalt  }
0x60: {  	_ =	shalt  }
0x61: {  	_ =	shalt  }
0x62: {  	_ =	shalt  }
0x63: {  	_ =	shalt  }
0x64: {  	_ =	shalt  }
0x65: {  	_ =	shalt  }
0x66: {  	_ =	shalt  }
0x67: {  	_ =	shalt  }
0x68: {  	_ =	shalt  }
0x69: {  	_ =	shalt  }
0x6a: {  	_ =	shalt  }
0x6b: {  	_ =	shalt  }
0x6c: {  	_ =	shalt  }
0x6d: {  	_ =	shalt  }
0x6e: {  	_ =	shalt  }
0x6f: {  	_ =	shalt  }
0x70: {  	_ =	shalt  }
0x71: {  	_ =	shalt  }
0x72: {  	_ =	shalt  }
0x73: {  	_ =	shalt  }
0x74: {  	_ =	shalt  }
0x75: {  	_ =	shalt  }
0x76: {  	_ =	shalt  }
0x77: {  	_ =	shalt  }
0x78: {  	_ =	shalt  }
0x79: {  	_ =	shalt  }
0x7a: {  	_ =	shalt  }
0x7b: {  	_ =	shalt  }
0x7c: {  	_ =	shalt  }
0x7d: {  	_ =	shalt  }
0x7e: {  	_ =	shalt  }
0x7f: {  	_ =	shalt  }
0x80: {  	_ =	shalt  }
0x81: {  	_ =	shalt  }
0x82: {  	_ =	shalt  }
0x83: {  	_ =	shalt  }
0x84: {  	_ =	shalt  }
0x85: {  	_ =	shalt  }
0x86: {  	_ =	shalt  }
0x87: {  	_ =	shalt  }
.Lfunc_end0:
.L_simem_size_0:
called_computation_lowered:
.L_overlay_start_0:
0x88: {  	s2 =	sld [smem:$0x3FD9]  }
0x89: {  	s3 =	sld [smem:$0x3FFE];
	_ =	sdelay $0x1  }
0x8a: {  	s1 =	srdreg.scid  }
0x8b: {  	s0 =	sand.u32 $0x1, s1  }
0x8c: {  	s14 =	sshll.u32 s0, $0xA;
	s2 =	sadd.s32 s3, s2  }
0x8d: {  	s2 =	sadd.s32 s2, s14  }
0x8e: {  	[smem:$0x3FC6] =	sst s2  }
0x8f: {  	_ = 	snop  }
0x90: {  	s2 =	sld [smem:$0x3FD0];
	_ =	sdelay $0x2  }
0x91: {  	s4 =	simm.s32 $0xA;
	s5 =	simm.s32 $0x10;
	s15 =	sld [smem:$0x3FC8]  }
0x92: {  	[smem:s5], [sflag:s4] =	dma.local [hbm:s2], $0x1  }
0x93: {  	_ =	swait.eq [sflag:s4], $0x1  }
0x94: {  	[sflag:s4] =	ssyncset.done $0x0  }
0x95: {  	[sflag:s4] =	ssyncadd.s32 $0xFFFFFFFF  }
0x96: {  	s16 =	sld [smem:$0x11];
	(tm) =	ssettm $0x1  }
0x97: {  	s17 =	sld [smem:$0x3FFB];
	_ =	sdelay $0x3  }
0x98: {  	_ =	strace s17  }
0x99: {  	s4 =	sld [smem:$0x3FFC];
	_ =	sdelay $0x3  }
0x9a: {  	_ =	strace s4  }
0x9b: {  	s4 =	sld [smem:$0x3FFD];
	_ =	sdelay $0x3  }
0x9c: {  	_ =	strace s4  }
0x9d: {  	_ =	strace $0x8FFFFFFF  }
0x9e: {  	s18 =	sld [smem:$0x3FDB];
	_ =	sdelay $0x1  }
0x9f: {  	s19 =	simm.s32 $_scs_section_size  }
0xa0: {  	s6 =	simm.s32 $_size__tile_overlayer_lowered;
	s7 =	simm.s32 $_tile_overlayer_lowered  }
0xa1: {  	s22 =	simm.s32 $0x1BFF;
	s21 =	sshll.u32 s7, $0x1;
	s4 =	sadd.s32 s19, s18  }
0xa2: {  	s8 =	simm.s32 $0x0;
	s20 =	sshll.u32 s6, $0x1;
	s6 =	sadd.s32 s21, s4  }
0xa3: {  	[timem:s8], [sflag:s22] =	dma.local [hbm:s6], s20  }
0xa4: {  	_ =	swait.ge [sflag:s22], s20  }
0xa5: {  	s5 =	ssub.s32 $0x0, s20;
	[sflag:s22] =	ssyncset.done $0x0  }
0xa6: {  	[sflag:s22] =	ssyncadd.s32 s5;
	_ =	sdelay $0x1  }
0xa7: {  	s23 =	simm.s32 $0x1B8B  }
0xa8: {  	_ =	swait.ge [sflag:s23], $0x1  }
0xa9: {  	[sflag:s23] =	ssyncset.done $0x0  }
0xaa: {  	s25 =	simm.s32 $0x1B8E;
	s24 =	sld [smem:$0x3FFE];
	[sflag:s23] =	ssyncadd.s32 $0xFFFFFFFF  }
0xab: {  	s26 =	simm.s32 $execute0_lowered;
	[smem:$0x3FD2] =	sst s25  }
0xac: {  	s6 =	sshll.u32 s26, $0x1;
	_ =	strace $0x80000046;
	[dreg:$0x1] =	wrdreg $0xFFFFFFFF  }
0xad: {  	s28 =	simm.s32 $_size_execute0_lowered;
	s4 =	sadd.s32 s4, s6;
	[dreg:$0x0] =	wrdreg $0x0  }
0xae: {  	s6 =	sshll.u32 s28, $0x1;
	[dreg:$0x2] =	wrdreg s4  }
0xaf: {  	[dreg:$0x3] =	wrdreg s6  }
0xb0: {  	[dreg:$0x4] =	wrdreg $0xC0  }
0xb1: {  	_ =	task [dreg:s8], $0x5FFFF  }
0xb2: {  	[dreg:$0x1] =	wrdreg $0xFFFFFFFF  }
0xb3: {  	[dreg:$0x0] =	wrdreg $0x60  }
0xb4: {  	[dreg:$0x2] =	wrdreg s15  }
0xb5: {  	[dreg:$0x3] =	wrdreg s24  }
0xb6: {  	[dreg:$0x4] =	wrdreg s16  }
0xb7: {  	[dreg:$0x5] =	wrdreg $0x9  }
0xb8: {  	_ =	task.clear_ibuf [dreg:s8], $0x6FFFF;
	_ =	strace $0x90000046  }
0xb9: {  	s29 =	simm.s32 $0x9;
	_ =	strace $0x80000048  }
0xba: {  	_ =	swait.ge [sflag:s29], $0x1  }
0xbb: {  	[sflag:s29] =	ssyncadd.s32 $0xFFFFFFFF  }
0xbc: {  	_ =	strace $0x90000048  }
0xbd: {  	_ =	sfence  }
0xbe: {  	s30 =	sld [smem:$0x0];
	_ =	sdelay $0x2  }
0xbf: {  	s31 =	sshll.u32 s1, $0xD;
	s1 =	sshrl.u32 s1, $0x2  }
0xc0: {  	s3 =	sand.u32 $0x4000, s31;
	s1 =	sadd.s32 s1, s30  }
0xc1: {  	s0 =	sor.u32 s3, s0;
	s1 =	sshll.u32 s1, $0x11  }
0xc2: {  	s0 =	sor.u32 s1, s0  }
0xc3: {  	s0 =	sadd.s32 $0x8F2B, s0  }
0xc4: {  	[sflag:s0] =	ssyncadd.remote.s32 $0x1  }
0xc5: {  	_ =	sfence.sel $0xFFFF  }
0xc6: {  	[dreg:$0x0] =	wrdreg $0xFFFFFFFF;
	(pc) =	sbr.abs _section_cstart, $3  }
0xc7: {  	[dreg:$0x1] =	wrdreg $0xFFFFFFFF  }
0xc8: {  	_ =	task.clear_ibuf [dreg:s8], $0x2FFFF;
	_ =	strace $0x9FFFFFFF  }
0xc9: {  	(tm) =	ssettm $0x7FFFFFFF  }
tec
execute0_lowered:
.L_overlay_start_1:
0x0: {  	(tag) =	ssettag $0x1  }
0x1: {  	s1 =	rddreg [dreg:$0x0]  }
0x2: {  	s4 =	rddreg [dreg:$0x1]  }
0x3: {  	s11 =	rddreg [dreg:$0x2]  }
0x4: {  	s0 =	rddreg [dreg:$0x3]  }
0x5: {  	s3 =	simm.s32 $0x0;
	s5 =	srdreg.scid;
	s2 =	stileid.u32  }
0x6: {  	s15 =	simm.s32 $0x880;
	s16 =	simm.s32 $0x1080;
	s17 =	simm.s32 $0x1880  }
0x7: {  	s18 =	simm.s32 $0x2080;
	s19 =	simm.s32 $0x2880;
	s20 =	simm.s32 $0x3080  }
0x8: {  	s28 =	simm.s32 $0x6880;
	s29 =	simm.s32 $0x7080;
	s30 =	simm.s32 $0x7880  }
0x9: {  	s31 =	simm.s32 $0x1;
	[smem:$0x7FF] =	sst s3;
	s5 =	sand.u32 $0x1, s5  }
0xa: {  	s7 =	sshll.u32 s2, $0xA;
	s6 =	ssub.s32 $0x2, s5;
	s5 =	sshll.u32 s5, $0x9  }
0xb: {  	s10 =	sadd.s32 $0x200, s4;
	s21 =	sshrl.u32 s6, $0x1;
	s9 =	sor.u32 s5, s7  }
0xc: {  	_ =	strace $0x80000047;
	s12 =	ssub.s32 s6, s21;
	s22 =	sshrl.u32 s9, $0x3  }
0xd: {  	s5 =	sshll.u32 s9, $0x5;
	s23 =	sor.u32 $0x80, s9;
	s13 =	sor.u32 $0x100, s9  }
0xe: {  	s14 =	sor.u32 $0x180, s9;
	s21 =	simm.s32 $0x3880;
	s4 =	sadd.s32 s10, s22  }
0xf: {  	s5 =	sadd.s32 s11, s5;
	s24 =	sshrl.u32 s23, $0x3;
	s8 =	sshll.u32 s23, $0x5  }
0x10: {  	s25 =	sshrl.u32 s13, $0x3;
	s13 =	sshll.u32 s13, $0x5;
	s26 =	sshrl.u32 s14, $0x3  }
0x11: {  	s14 =	sshll.u32 s14, $0x5;
	s12 =	smax.u32 s12, $0x1;
	s22 =	simm.s32 $0x4080  }
0x12: {  	s23 =	simm.s32 $0x4880;
	s6 =	sadd.s32 s10, s24;
	s7 =	sadd.s32 s11, s8  }
0x13: {  	v2 =	vlaneseq.u32;
	s8 =	sadd.s32 s10, s25;
	s9 =	sadd.s32 s11, s13;
	s10 =	sadd.s32 s10, s26  }
0x14: {  	vm0 =	vmmov $0xffff;
	v1 =	vshrl.u32 v2, $0x3;
	s11 =	sadd.s32 s11, s14;
	s13 =	simm.s32 $0x2;
	s14 =	simm.s32 $0x80  }
0x15: {  	v0 =	vand.u32 $0x7, v2;
	v2 =	vor.u32 $0x8, v2;
	v1 =	vmul.u32 $0x8, v1;
	s24 =	simm.s32 $0x5080;
	s25 =	simm.s32 $0x5880;
	s26 =	simm.s32 $0x6080  }
.LBB2_1:
0x16: {  	[tilespmem:s3], [sflag:$0x2] =	stream.linear.gather [hbm4b:s4+s3], $0x80, $0x38;
	[tilespmem:$0x8080] =	vst v63  }
0x17: {  	_ =	swait.ge [sflag:s13], $0x80  }
0x18: {  	[sflag:s13] =	ssyncset.done $0x0  }
0x19: {  	[sflag:s13] =	ssyncadd.s32 $0xFFFFFF80  }
0x1a: {  	v3 =	vld [tilespmem:$0x0];
	_ =	sdelay $0x4  }
0x1b: {  	v4 =	vshll.u32 v3, $0x1  }
0x1c: {  	v3 =	vand.u32 $0x7, v3;
	v4 =	vand.u32 $0xFFFFFFF0, v4  }
0x1d: {  	v3 =	vor.u32 v3, v4  }
0x1e: {  	v4 =	vperm.xlane v3, v0;
	_ =	sdelay $0x1  }
0x1f: {  	v3 =	vperm.xlane v3, v2;
	v4 =	vadd.s32 v1, v4;
	_ =	sdelay $0x1  }
0x20: {  	v3 =	vadd.s32 v1, v3;
	_ =	sdelay $0x2  }
0x21: {  	[tilespmem:s14], [sflag:$0x1] =	stream.indirect_vreg.gather [hbm4b:s1+s3], $0x80, v4, vm0, $0xb8;
	[tilespmem:$0x8080] =	vst v63  }
0x22: {  	_ = 	snop  }
0x23: {  	[tilespmem:s15], [sflag:$0x1] =	stream.indirect_vreg.gather [hbm4b:s1+s3], $0x80, v3, vm0, $0xb8;
	[tilespmem:$0x8080] =	vst v63  }
0x24: {  	v3 =	vld [tilespmem:$0x10];
	_ =	sdelay $0x4  }
0x25: {  	v33 =	vshll.u32 v3, $0x1  }
0x26: {  	v3 =	vand.u32 $0x7, v3;
	v4 =	vand.u32 $0xFFFFFFF0, v33  }
0x27: {  	v3 =	vor.u32 v3, v4  }
0x28: {  	v4 =	vperm.xlane v3, v0;
	_ =	sdelay $0x1  }
0x29: {  	v3 =	vperm.xlane v3, v2;
	v4 =	vadd.s32 v1, v4;
	_ =	sdelay $0x1  }
0x2a: {  	v3 =	vadd.s32 v1, v3;
	_ =	sdelay $0x2  }
0x2b: {  	[tilespmem:s16], [sflag:$0x1] =	stream.indirect_vreg.gather [hbm4b:s1+s3], $0x80, v4, vm0, $0xb8;
	[tilespmem:$0x8080] =	vst v63  }
0x2c: {  	_ = 	snop  }
0x2d: {  	[tilespmem:s17], [sflag:$0x1] =	stream.indirect_vreg.gather [hbm4b:s1+s3], $0x80, v3, vm0, $0xb8;
	[tilespmem:$0x8080] =	vst v63  }
0x2e: {  	v3 =	vld [tilespmem:$0x20];
	_ =	sdelay $0x4  }
0x2f: {  	v34 =	vshll.u32 v3, $0x1  }
0x30: {  	v3 =	vand.u32 $0x7, v3;
	v4 =	vand.u32 $0xFFFFFFF0, v34  }
0x31: {  	v3 =	vor.u32 v3, v4  }
0x32: {  	v4 =	vperm.xlane v3, v0;
	_ =	sdelay $0x1  }
0x33: {  	v3 =	vperm.xlane v3, v2;
	v4 =	vadd.s32 v1, v4;
	_ =	sdelay $0x1  }
0x34: {  	v3 =	vadd.s32 v1, v3;
	_ =	sdelay $0x2  }
0x35: {  	[tilespmem:s18], [sflag:$0x1] =	stream.indirect_vreg.gather [hbm4b:s1+s3], $0x80, v4, vm0, $0xb8;
	[tilespmem:$0x8080] =	vst v63  }
0x36: {  	_ = 	snop  }
0x37: {  	[tilespmem:s19], [sflag:$0x1] =	stream.indirect_vreg.gather [hbm4b:s1+s3], $0x80, v3, vm0, $0xb8;
	[tilespmem:$0x8080] =	vst v63  }
0x38: {  	v3 =	vld [tilespmem:$0x30];
	_ =	sdelay $0x4  }
0x39: {  	v35 =	vshll.u32 v3, $0x1  }
0x3a: {  	v3 =	vand.u32 $0x7, v3;
	v4 =	vand.u32 $0xFFFFFFF0, v35  }
0x3b: {  	v3 =	vor.u32 v3, v4  }
0x3c: {  	v4 =	vperm.xlane v3, v0;
	_ =	sdelay $0x1  }
0x3d: {  	v3 =	vperm.xlane v3, v2;
	v4 =	vadd.s32 v1, v4;
	_ =	sdelay $0x1  }
0x3e: {  	v3 =	vadd.s32 v1, v3;
	_ =	sdelay $0x2  }
0x3f: {  	[tilespmem:s20], [sflag:$0x1] =	stream.indirect_vreg.gather [hbm4b:s1+s3], $0x80, v4, vm0, $0xb8;
	[tilespmem:$0x8080] =	vst v63  }
0x40: {  	_ = 	snop  }
0x41: {  	[tilespmem:s21], [sflag:$0x1] =	stream.indirect_vreg.gather [hbm4b:s1+s3], $0x80, v3, vm0, $0xb8;
	[tilespmem:$0x8080] =	vst v63  }
0x42: {  	v3 =	vld [tilespmem:$0x40];
	_ =	sdelay $0x4  }
0x43: {  	v36 =	vshll.u32 v3, $0x1  }
0x44: {  	v3 =	vand.u32 $0x7, v3;
	v4 =	vand.u32 $0xFFFFFFF0, v36  }
0x45: {  	v3 =	vor.u32 v3, v4  }
0x46: {  	v4 =	vperm.xlane v3, v0;
	_ =	sdelay $0x1  }
0x47: {  	v3 =	vperm.xlane v3, v2;
	v4 =	vadd.s32 v1, v4;
	_ =	sdelay $0x1  }
0x48: {  	v3 =	vadd.s32 v1, v3;
	_ =	sdelay $0x2  }
0x49: {  	[tilespmem:s22], [sflag:$0x1] =	stream.indirect_vreg.gather [hbm4b:s1+s3], $0x80, v4, vm0, $0xb8;
	[tilespmem:$0x8080] =	vst v63  }
0x4a: {  	_ = 	snop  }
0x4b: {  	[tilespmem:s23], [sflag:$0x1] =	stream.indirect_vreg.gather [hbm4b:s1+s3], $0x80, v3, vm0, $0xb8;
	[tilespmem:$0x8080] =	vst v63  }
0x4c: {  	v3 =	vld [tilespmem:$0x50];
	_ =	sdelay $0x4  }
0x4d: {  	v37 =	vshll.u32 v3, $0x1  }
0x4e: {  	v3 =	vand.u32 $0x7, v3;
	v4 =	vand.u32 $0xFFFFFFF0, v37  }
0x4f: {  	v3 =	vor.u32 v3, v4  }
0x50: {  	v4 =	vperm.xlane v3, v0;
	_ =	sdelay $0x1  }
0x51: {  	v3 =	vperm.xlane v3, v2;
	v4 =	vadd.s32 v1, v4;
	_ =	sdelay $0x1  }
0x52: {  	v3 =	vadd.s32 v1, v3;
	_ =	sdelay $0x2  }
0x53: {  	[tilespmem:s24], [sflag:$0x1] =	stream.indirect_vreg.gather [hbm4b:s1+s3], $0x80, v4, vm0, $0xb8;
	[tilespmem:$0x8080] =	vst v63  }
0x54: {  	_ = 	snop  }
0x55: {  	[tilespmem:s25], [sflag:$0x1] =	stream.indirect_vreg.gather [hbm4b:s1+s3], $0x80, v3, vm0, $0xb8;
	[tilespmem:$0x8080] =	vst v63  }
0x56: {  	v3 =	vld [tilespmem:$0x60];
	_ =	sdelay $0x4  }
0x57: {  	v38 =	vshll.u32 v3, $0x1  }
0x58: {  	v3 =	vand.u32 $0x7, v3;
	v4 =	vand.u32 $0xFFFFFFF0, v38  }
0x59: {  	v3 =	vor.u32 v3, v4  }
0x5a: {  	v4 =	vperm.xlane v3, v0;
	_ =	sdelay $0x1  }
0x5b: {  	v3 =	vperm.xlane v3, v2;
	v4 =	vadd.s32 v1, v4;
	_ =	sdelay $0x1  }
0x5c: {  	v3 =	vadd.s32 v1, v3;
	_ =	sdelay $0x2  }
0x5d: {  	[tilespmem:s26], [sflag:$0x1] =	stream.indirect_vreg.gather [hbm4b:s1+s3], $0x80, v4, vm0, $0xb8;
	[tilespmem:$0x8080] =	vst v63  }
0x5e: {  	_ = 	snop  }
0x5f: {  	[tilespmem:s28], [sflag:$0x1] =	stream.indirect_vreg.gather [hbm4b:s1+s3], $0x80, v3, vm0, $0xb8;
	[tilespmem:$0x8080] =	vst v63  }
0x60: {  	v3 =	vld [tilespmem:$0x70];
	_ =	sdelay $0x4  }
0x61: {  	v39 =	vshll.u32 v3, $0x1  }
0x62: {  	v3 =	vand.u32 $0x7, v3;
	v4 =	vand.u32 $0xFFFFFFF0, v39  }
0x63: {  	v3 =	vor.u32 v3, v4  }
0x64: {  	v4 =	vperm.xlane v3, v0;
	_ =	sdelay $0x1  }
0x65: {  	v3 =	vperm.xlane v3, v2;
	v4 =	vadd.s32 v1, v4;
	_ =	sdelay $0x1  }
0x66: {  	v3 =	vadd.s32 v1, v3;
	_ =	sdelay $0x2  }
0x67: {  	[tilespmem:s29], [sflag:$0x1] =	stream.indirect_vreg.gather [hbm4b:s1+s3], $0x80, v4, vm0, $0xb8;
	[tilespmem:$0x8080] =	vst v63  }
0x68: {  	_ = 	snop  }
0x69: {  	[tilespmem:s30], [sflag:$0x1] =	stream.indirect_vreg.gather [hbm4b:s1+s3], $0x80, v3, vm0, $0xb8;
	[tilespmem:$0x8080] =	vst v63  }
0x6a: {  	_ =	swait.ge [sflag:s31], $0x8000  }
0x6b: {  	[sflag:s31] =	ssyncset.done $0x0  }
0x6c: {  	[sflag:s31] =	ssyncadd.s32 $0xFFFF8000  }
0x6d: {  	[hbm4b:s5+s3] =	stream.linear.scatter [tilespmem:s14], [sflag:$0x2], $0x8000, $0x38;
	[tilespmem:$0x8080] =	vst v63  }
0x6e: {  	_ =	swait.ge [sflag:s13], $0x8000  }
0x6f: {  	[sflag:s13] =	ssyncset.done $0x0  }
0x70: {  	[sflag:s13] =	ssyncadd.s32 $0xFFFF8000  }
0x71: {  	[tilespmem:s3], [sflag:$0x2] =	stream.linear.gather [hbm4b:s6+s3], $0x80, $0x38;
	[tilespmem:$0x8080] =	vst v63  }
0x72: {  	_ =	swait.ge [sflag:s13], $0x80  }
0x73: {  	[sflag:s13] =	ssyncset.done $0x0  }
0x74: {  	[sflag:s13] =	ssyncadd.s32 $0xFFFFFF80  }
0x75: {  	v3 =	vld [tilespmem:$0x0];
	_ =	sdelay $0x4  }
0x76: {  	v40 =	vshll.u32 v3, $0x1  }
0x77: {  	v3 =	vand.u32 $0x7, v3;
	v4 =	vand.u32 $0xFFFFFFF0, v40  }
0x78: {  	v3 =	vor.u32 v3, v4  }
0x79: {  	v4 =	vperm.xlane v3, v0;
	_ =	sdelay $0x1  }
0x7a: {  	v3 =	vperm.xlane v3, v2;
	v4 =	vadd.s32 v1, v4;
	_ =	sdelay $0x1  }
0x7b: {  	v3 =	vadd.s32 v1, v3;
	_ =	sdelay $0x2  }
0x7c: {  	[tilespmem:s14], [sflag:$0x1] =	stream.indirect_vreg.gather [hbm4b:s1+s3], $0x80, v4, vm0, $0xb8;
	[tilespmem:$0x8080] =	vst v63  }
0x7d: {  	_ = 	snop  }
0x7e: {  	[tilespmem:s15], [sflag:$0x1] =	stream.indirect_vreg.gather [hbm4b:s1+s3], $0x80, v3, vm0, $0xb8;
	[tilespmem:$0x8080] =	vst v63  }
0x7f: {  	v3 =	vld [tilespmem:$0x10];
	_ =	sdelay $0x4  }
0x80: {  	v41 =	vshll.u32 v3, $0x1  }
0x81: {  	v3 =	vand.u32 $0x7, v3;
	v4 =	vand.u32 $0xFFFFFFF0, v41  }
0x82: {  	v3 =	vor.u32 v3, v4  }
0x83: {  	v4 =	vperm.xlane v3, v0;
	_ =	sdelay $0x1  }
0x84: {  	v3 =	vperm.xlane v3, v2;
	v4 =	vadd.s32 v1, v4;
	_ =	sdelay $0x1  }
0x85: {  	v3 =	vadd.s32 v1, v3;
	_ =	sdelay $0x2  }
0x86: {  	[tilespmem:s16], [sflag:$0x1] =	stream.indirect_vreg.gather [hbm4b:s1+s3], $0x80, v4, vm0, $0xb8;
	[tilespmem:$0x8080] =	vst v63  }
0x87: {  	_ = 	snop  }
0x88: {  	[tilespmem:s17], [sflag:$0x1] =	stream.indirect_vreg.gather [hbm4b:s1+s3], $0x80, v3, vm0, $0xb8;
	[tilespmem:$0x8080] =	vst v63  }
0x89: {  	v3 =	vld [tilespmem:$0x20];
	_ =	sdelay $0x4  }
0x8a: {  	v42 =	vshll.u32 v3, $0x1  }
0x8b: {  	v3 =	vand.u32 $0x7, v3;
	v4 =	vand.u32 $0xFFFFFFF0, v42  }
0x8c: {  	v3 =	vor.u32 v3, v4  }
0x8d: {  	v4 =	vperm.xlane v3, v0;
	_ =	sdelay $0x1  }
0x8e: {  	v3 =	vperm.xlane v3, v2;
	v4 =	vadd.s32 v1, v4;
	_ =	sdelay $0x1  }
0x8f: {  	v3 =	vadd.s32 v1, v3;
	_ =	sdelay $0x2  }
0x90: {  	[tilespmem:s18], [sflag:$0x1] =	stream.indirect_vreg.gather [hbm4b:s1+s3], $0x80, v4, vm0, $0xb8;
	[tilespmem:$0x8080] =	vst v63  }
0x91: {  	_ = 	snop  }
0x92: {  	[tilespmem:s19], [sflag:$0x1] =	stream.indirect_vreg.gather [hbm4b:s1+s3], $0x80, v3, vm0, $0xb8;
	[tilespmem:$0x8080] =	vst v63  }
0x93: {  	v3 =	vld [tilespmem:$0x30];
	_ =	sdelay $0x4  }
0x94: {  	v43 =	vshll.u32 v3, $0x1  }
0x95: {  	v3 =	vand.u32 $0x7, v3;
	v4 =	vand.u32 $0xFFFFFFF0, v43  }
0x96: {  	v3 =	vor.u32 v3, v4  }
0x97: {  	v4 =	vperm.xlane v3, v0;
	_ =	sdelay $0x1  }
0x98: {  	v3 =	vperm.xlane v3, v2;
	v4 =	vadd.s32 v1, v4;
	_ =	sdelay $0x1  }
0x99: {  	v3 =	vadd.s32 v1, v3;
	_ =	sdelay $0x2  }
0x9a: {  	[tilespmem:s20], [sflag:$0x1] =	stream.indirect_vreg.gather [hbm4b:s1+s3], $0x80, v4, vm0, $0xb8;
	[tilespmem:$0x8080] =	vst v63  }
0x9b: {  	_ = 	snop  }
0x9c: {  	[tilespmem:s21], [sflag:$0x1] =	stream.indirect_vreg.gather [hbm4b:s1+s3], $0x80, v3, vm0, $0xb8;
	[tilespmem:$0x8080] =	vst v63  }
0x9d: {  	v3 =	vld [tilespmem:$0x40];
	_ =	sdelay $0x4  }
0x9e: {  	v44 =	vshll.u32 v3, $0x1  }
0x9f: {  	v3 =	vand.u32 $0x7, v3;
	v4 =	vand.u32 $0xFFFFFFF0, v44  }
0xa0: {  	v3 =	vor.u32 v3, v4  }
0xa1: {  	v4 =	vperm.xlane v3, v0;
	_ =	sdelay $0x1  }
0xa2: {  	v3 =	vperm.xlane v3, v2;
	v4 =	vadd.s32 v1, v4;
	_ =	sdelay $0x1  }
0xa3: {  	v3 =	vadd.s32 v1, v3;
	_ =	sdelay $0x2  }
0xa4: {  	[tilespmem:s22], [sflag:$0x1] =	stream.indirect_vreg.gather [hbm4b:s1+s3], $0x80, v4, vm0, $0xb8;
	[tilespmem:$0x8080] =	vst v63  }
0xa5: {  	_ = 	snop  }
0xa6: {  	[tilespmem:s23], [sflag:$0x1] =	stream.indirect_vreg.gather [hbm4b:s1+s3], $0x80, v3, vm0, $0xb8;
	[tilespmem:$0x8080] =	vst v63  }
0xa7: {  	v3 =	vld [tilespmem:$0x50];
	_ =	sdelay $0x4  }
0xa8: {  	v45 =	vshll.u32 v3, $0x1  }
0xa9: {  	v3 =	vand.u32 $0x7, v3;
	v4 =	vand.u32 $0xFFFFFFF0, v45  }
0xaa: {  	v3 =	vor.u32 v3, v4  }
0xab: {  	v4 =	vperm.xlane v3, v0;
	_ =	sdelay $0x1  }
0xac: {  	v3 =	vperm.xlane v3, v2;
	v4 =	vadd.s32 v1, v4;
	_ =	sdelay $0x1  }
0xad: {  	v3 =	vadd.s32 v1, v3;
	_ =	sdelay $0x2  }
0xae: {  	[tilespmem:s24], [sflag:$0x1] =	stream.indirect_vreg.gather [hbm4b:s1+s3], $0x80, v4, vm0, $0xb8;
	[tilespmem:$0x8080] =	vst v63  }
0xaf: {  	_ = 	snop  }
0xb0: {  	[tilespmem:s25], [sflag:$0x1] =	stream.indirect_vreg.gather [hbm4b:s1+s3], $0x80, v3, vm0, $0xb8;
	[tilespmem:$0x8080] =	vst v63  }
0xb1: {  	v3 =	vld [tilespmem:$0x60];
	_ =	sdelay $0x4  }
0xb2: {  	v46 =	vshll.u32 v3, $0x1  }
0xb3: {  	v3 =	vand.u32 $0x7, v3;
	v4 =	vand.u32 $0xFFFFFFF0, v46  }
0xb4: {  	v3 =	vor.u32 v3, v4  }
0xb5: {  	v4 =	vperm.xlane v3, v0;
	_ =	sdelay $0x1  }
0xb6: {  	v3 =	vperm.xlane v3, v2;
	v4 =	vadd.s32 v1, v4;
	_ =	sdelay $0x1  }
0xb7: {  	v3 =	vadd.s32 v1, v3;
	_ =	sdelay $0x2  }
0xb8: {  	[tilespmem:s26], [sflag:$0x1] =	stream.indirect_vreg.gather [hbm4b:s1+s3], $0x80, v4, vm0, $0xb8;
	[tilespmem:$0x8080] =	vst v63  }
0xb9: {  	_ = 	snop  }
0xba: {  	[tilespmem:s28], [sflag:$0x1] =	stream.indirect_vreg.gather [hbm4b:s1+s3], $0x80, v3, vm0, $0xb8;
	[tilespmem:$0x8080] =	vst v63  }
0xbb: {  	v3 =	vld [tilespmem:$0x70];
	_ =	sdelay $0x4  }
0xbc: {  	v47 =	vshll.u32 v3, $0x1  }
0xbd: {  	v3 =	vand.u32 $0x7, v3;
	v4 =	vand.u32 $0xFFFFFFF0, v47  }
0xbe: {  	v3 =	vor.u32 v3, v4  }
0xbf: {  	v4 =	vperm.xlane v3, v0;
	_ =	sdelay $0x1  }
0xc0: {  	v3 =	vperm.xlane v3, v2;
	v4 =	vadd.s32 v1, v4;
	_ =	sdelay $0x1  }
0xc1: {  	v3 =	vadd.s32 v1, v3;
	_ =	sdelay $0x2  }
0xc2: {  	[tilespmem:s29], [sflag:$0x1] =	stream.indirect_vreg.gather [hbm4b:s1+s3], $0x80, v4, vm0, $0xb8;
	[tilespmem:$0x8080] =	vst v63  }
0xc3: {  	_ = 	snop  }
0xc4: {  	[tilespmem:s30], [sflag:$0x1] =	stream.indirect_vreg.gather [hbm4b:s1+s3], $0x80, v3, vm0, $0xb8;
	[tilespmem:$0x8080] =	vst v63  }
0xc5: {  	_ =	swait.ge [sflag:s31], $0x8000  }
0xc6: {  	[sflag:s31] =	ssyncset.done $0x0  }
0xc7: {  	[sflag:s31] =	ssyncadd.s32 $0xFFFF8000  }
0xc8: {  	[hbm4b:s7+s3] =	stream.linear.scatter [tilespmem:s14], [sflag:$0x2], $0x8000, $0x38;
	[tilespmem:$0x8080] =	vst v63  }
0xc9: {  	_ =	swait.ge [sflag:s13], $0x8000  }
0xca: {  	[sflag:s13] =	ssyncset.done $0x0  }
0xcb: {  	[sflag:s13] =	ssyncadd.s32 $0xFFFF8000  }
0xcc: {  	[tilespmem:s3], [sflag:$0x2] =	stream.linear.gather [hbm4b:s8+s3], $0x80, $0x38;
	[tilespmem:$0x8080] =	vst v63  }
0xcd: {  	_ =	swait.ge [sflag:s13], $0x80  }
0xce: {  	[sflag:s13] =	ssyncset.done $0x0  }
0xcf: {  	[sflag:s13] =	ssyncadd.s32 $0xFFFFFF80  }
0xd0: {  	v3 =	vld [tilespmem:$0x0];
	_ =	sdelay $0x4  }
0xd1: {  	v48 =	vshll.u32 v3, $0x1  }
0xd2: {  	v3 =	vand.u32 $0x7, v3;
	v4 =	vand.u32 $0xFFFFFFF0, v48  }
0xd3: {  	v3 =	vor.u32 v3, v4  }
0xd4: {  	v4 =	vperm.xlane v3, v0;
	_ =	sdelay $0x1  }
0xd5: {  	v3 =	vperm.xlane v3, v2;
	v4 =	vadd.s32 v1, v4;
	_ =	sdelay $0x1  }
0xd6: {  	v3 =	vadd.s32 v1, v3;
	_ =	sdelay $0x2  }
0xd7: {  	[tilespmem:s14], [sflag:$0x1] =	stream.indirect_vreg.gather [hbm4b:s1+s3], $0x80, v4, vm0, $0xb8;
	[tilespmem:$0x8080] =	vst v63  }
0xd8: {  	_ = 	snop  }
0xd9: {  	[tilespmem:s15], [sflag:$0x1] =	stream.indirect_vreg.gather [hbm4b:s1+s3], $0x80, v3, vm0, $0xb8;
	[tilespmem:$0x8080] =	vst v63  }
0xda: {  	v3 =	vld [tilespmem:$0x10];
	_ =	sdelay $0x4  }
0xdb: {  	v49 =	vshll.u32 v3, $0x1  }
0xdc: {  	v3 =	vand.u32 $0x7, v3;
	v4 =	vand.u32 $0xFFFFFFF0, v49  }
0xdd: {  	v3 =	vor.u32 v3, v4  }
0xde: {  	v4 =	vperm.xlane v3, v0;
	_ =	sdelay $0x1  }
0xdf: {  	v3 =	vperm.xlane v3, v2;
	v4 =	vadd.s32 v1, v4;
	_ =	sdelay $0x1  }
0xe0: {  	v3 =	vadd.s32 v1, v3;
	_ =	sdelay $0x2  }
0xe1: {  	[tilespmem:s16], [sflag:$0x1] =	stream.indirect_vreg.gather [hbm4b:s1+s3], $0x80, v4, vm0, $0xb8;
	[tilespmem:$0x8080] =	vst v63  }
0xe2: {  	_ = 	snop  }
0xe3: {  	[tilespmem:s17], [sflag:$0x1] =	stream.indirect_vreg.gather [hbm4b:s1+s3], $0x80, v3, vm0, $0xb8;
	[tilespmem:$0x8080] =	vst v63  }
0xe4: {  	v3 =	vld [tilespmem:$0x20];
	_ =	sdelay $0x4  }
0xe5: {  	v50 =	vshll.u32 v3, $0x1  }
0xe6: {  	v3 =	vand.u32 $0x7, v3;
	v4 =	vand.u32 $0xFFFFFFF0, v50  }
0xe7: {  	v3 =	vor.u32 v3, v4  }
0xe8: {  	v4 =	vperm.xlane v3, v0;
	_ =	sdelay $0x1  }
0xe9: {  	v3 =	vperm.xlane v3, v2;
	v4 =	vadd.s32 v1, v4;
	_ =	sdelay $0x1  }
0xea: {  	v3 =	vadd.s32 v1, v3;
	_ =	sdelay $0x2  }
0xeb: {  	[tilespmem:s18], [sflag:$0x1] =	stream.indirect_vreg.gather [hbm4b:s1+s3], $0x80, v4, vm0, $0xb8;
	[tilespmem:$0x8080] =	vst v63  }
0xec: {  	_ = 	snop  }
0xed: {  	[tilespmem:s19], [sflag:$0x1] =	stream.indirect_vreg.gather [hbm4b:s1+s3], $0x80, v3, vm0, $0xb8;
	[tilespmem:$0x8080] =	vst v63  }
0xee: {  	v3 =	vld [tilespmem:$0x30];
	_ =	sdelay $0x4  }
0xef: {  	v51 =	vshll.u32 v3, $0x1  }
0xf0: {  	v3 =	vand.u32 $0x7, v3;
	v4 =	vand.u32 $0xFFFFFFF0, v51  }
0xf1: {  	v3 =	vor.u32 v3, v4  }
0xf2: {  	v4 =	vperm.xlane v3, v0;
	_ =	sdelay $0x1  }
0xf3: {  	v3 =	vperm.xlane v3, v2;
	v4 =	vadd.s32 v1, v4;
	_ =	sdelay $0x1  }
0xf4: {  	v3 =	vadd.s32 v1, v3;
	_ =	sdelay $0x2  }
0xf5: {  	[tilespmem:s20], [sflag:$0x1] =	stream.indirect_vreg.gather [hbm4b:s1+s3], $0x80, v4, vm0, $0xb8;
	[tilespmem:$0x8080] =	vst v63  }
0xf6: {  	_ = 	snop  }
0xf7: {  	[tilespmem:s21], [sflag:$0x1] =	stream.indirect_vreg.gather [hbm4b:s1+s3], $0x80, v3, vm0, $0xb8;
	[tilespmem:$0x8080] =	vst v63  }
0xf8: {  	v3 =	vld [tilespmem:$0x40];
	_ =	sdelay $0x4  }
0xf9: {  	v52 =	vshll.u32 v3, $0x1  }
0xfa: {  	v3 =	vand.u32 $0x7, v3;
	v4 =	vand.u32 $0xFFFFFFF0, v52  }
0xfb: {  	v3 =	vor.u32 v3, v4  }
0xfc: {  	v4 =	vperm.xlane v3, v0;
	_ =	sdelay $0x1  }
0xfd: {  	v3 =	vperm.xlane v3, v2;
	v4 =	vadd.s32 v1, v4;
	_ =	sdelay $0x1  }
0xfe: {  	v3 =	vadd.s32 v1, v3;
	_ =	sdelay $0x2  }
0xff: {  	[tilespmem:s22], [sflag:$0x1] =	stream.indirect_vreg.gather [hbm4b:s1+s3], $0x80, v4, vm0, $0xb8;
	[tilespmem:$0x8080] =	vst v63  }
0x100: {  	_ = 	snop  }
0x101: {  	[tilespmem:s23], [sflag:$0x1] =	stream.indirect_vreg.gather [hbm4b:s1+s3], $0x80, v3, vm0, $0xb8;
	[tilespmem:$0x8080] =	vst v63  }
0x102: {  	v3 =	vld [tilespmem:$0x50];
	_ =	sdelay $0x4  }
0x103: {  	v53 =	vshll.u32 v3, $0x1  }
0x104: {  	v3 =	vand.u32 $0x7, v3;
	v4 =	vand.u32 $0xFFFFFFF0, v53  }
0x105: {  	v3 =	vor.u32 v3, v4  }
0x106: {  	v4 =	vperm.xlane v3, v0;
	_ =	sdelay $0x1  }
0x107: {  	v3 =	vperm.xlane v3, v2;
	v4 =	vadd.s32 v1, v4;
	_ =	sdelay $0x1  }
0x108: {  	v3 =	vadd.s32 v1, v3;
	_ =	sdelay $0x2  }
0x109: {  	[tilespmem:s24], [sflag:$0x1] =	stream.indirect_vreg.gather [hbm4b:s1+s3], $0x80, v4, vm0, $0xb8;
	[tilespmem:$0x8080] =	vst v63  }
0x10a: {  	_ = 	snop  }
0x10b: {  	[tilespmem:s25], [sflag:$0x1] =	stream.indirect_vreg.gather [hbm4b:s1+s3], $0x80, v3, vm0, $0xb8;
	[tilespmem:$0x8080] =	vst v63  }
0x10c: {  	v3 =	vld [tilespmem:$0x60];
	_ =	sdelay $0x4  }
0x10d: {  	v54 =	vshll.u32 v3, $0x1  }
0x10e: {  	v3 =	vand.u32 $0x7, v3;
	v4 =	vand.u32 $0xFFFFFFF0, v54  }
0x10f: {  	v3 =	vor.u32 v3, v4  }
0x110: {  	v4 =	vperm.xlane v3, v0;
	_ =	sdelay $0x1  }
0x111: {  	v3 =	vperm.xlane v3, v2;
	v4 =	vadd.s32 v1, v4;
	_ =	sdelay $0x1  }
0x112: {  	v3 =	vadd.s32 v1, v3;
	_ =	sdelay $0x2  }
0x113: {  	[tilespmem:s26], [sflag:$0x1] =	stream.indirect_vreg.gather [hbm4b:s1+s3], $0x80, v4, vm0, $0xb8;
	[tilespmem:$0x8080] =	vst v63  }
0x114: {  	_ = 	snop  }
0x115: {  	[tilespmem:s28], [sflag:$0x1] =	stream.indirect_vreg.gather [hbm4b:s1+s3], $0x80, v3, vm0, $0xb8;
	[tilespmem:$0x8080] =	vst v63  }
0x116: {  	v3 =	vld [tilespmem:$0x70];
	_ =	sdelay $0x4  }
0x117: {  	v55 =	vshll.u32 v3, $0x1  }
0x118: {  	v3 =	vand.u32 $0x7, v3;
	v4 =	vand.u32 $0xFFFFFFF0, v55  }
0x119: {  	v3 =	vor.u32 v3, v4  }
0x11a: {  	v4 =	vperm.xlane v3, v0;
	_ =	sdelay $0x1  }
0x11b: {  	v3 =	vperm.xlane v3, v2;
	v4 =	vadd.s32 v1, v4;
	_ =	sdelay $0x1  }
0x11c: {  	v3 =	vadd.s32 v1, v3;
	_ =	sdelay $0x2  }
0x11d: {  	[tilespmem:s29], [sflag:$0x1] =	stream.indirect_vreg.gather [hbm4b:s1+s3], $0x80, v4, vm0, $0xb8;
	[tilespmem:$0x8080] =	vst v63  }
0x11e: {  	_ = 	snop  }
0x11f: {  	[tilespmem:s30], [sflag:$0x1] =	stream.indirect_vreg.gather [hbm4b:s1+s3], $0x80, v3, vm0, $0xb8;
	[tilespmem:$0x8080] =	vst v63  }
0x120: {  	_ =	swait.ge [sflag:s31], $0x8000  }
0x121: {  	[sflag:s31] =	ssyncset.done $0x0  }
0x122: {  	[sflag:s31] =	ssyncadd.s32 $0xFFFF8000  }
0x123: {  	[hbm4b:s9+s3] =	stream.linear.scatter [tilespmem:s14], [sflag:$0x2], $0x8000, $0x38;
	[tilespmem:$0x8080] =	vst v63  }
0x124: {  	_ =	swait.ge [sflag:s13], $0x8000  }
0x125: {  	[sflag:s13] =	ssyncset.done $0x0  }
0x126: {  	[sflag:s13] =	ssyncadd.s32 $0xFFFF8000  }
0x127: {  	[tilespmem:s3], [sflag:$0x2] =	stream.linear.gather [hbm4b:s10+s3], $0x80, $0x38;
	[tilespmem:$0x8080] =	vst v63  }
0x128: {  	_ =	swait.ge [sflag:s13], $0x80  }
0x129: {  	[sflag:s13] =	ssyncset.done $0x0  }
0x12a: {  	[sflag:s13] =	ssyncadd.s32 $0xFFFFFF80  }
0x12b: {  	v3 =	vld [tilespmem:$0x0];
	_ =	sdelay $0x4  }
0x12c: {  	v56 =	vshll.u32 v3, $0x1  }
0x12d: {  	v3 =	vand.u32 $0x7, v3;
	v4 =	vand.u32 $0xFFFFFFF0, v56  }
0x12e: {  	v3 =	vor.u32 v3, v4  }
0x12f: {  	v4 =	vperm.xlane v3, v0;
	_ =	sdelay $0x1  }
0x130: {  	v3 =	vperm.xlane v3, v2;
	v4 =	vadd.s32 v1, v4;
	_ =	sdelay $0x1  }
0x131: {  	v3 =	vadd.s32 v1, v3;
	_ =	sdelay $0x2  }
0x132: {  	[tilespmem:s14], [sflag:$0x1] =	stream.indirect_vreg.gather [hbm4b:s1+s3], $0x80, v4, vm0, $0xb8;
	[tilespmem:$0x8080] =	vst v63  }
0x133: {  	_ = 	snop  }
0x134: {  	[tilespmem:s15], [sflag:$0x1] =	stream.indirect_vreg.gather [hbm4b:s1+s3], $0x80, v3, vm0, $0xb8;
	[tilespmem:$0x8080] =	vst v63  }
0x135: {  	v3 =	vld [tilespmem:$0x10];
	_ =	sdelay $0x4  }
0x136: {  	v57 =	vshll.u32 v3, $0x1  }
0x137: {  	v3 =	vand.u32 $0x7, v3;
	v4 =	vand.u32 $0xFFFFFFF0, v57  }
0x138: {  	v3 =	vor.u32 v3, v4  }
0x139: {  	v4 =	vperm.xlane v3, v0;
	_ =	sdelay $0x1  }
0x13a: {  	v3 =	vperm.xlane v3, v2;
	v4 =	vadd.s32 v1, v4;
	_ =	sdelay $0x1  }
0x13b: {  	v3 =	vadd.s32 v1, v3;
	_ =	sdelay $0x2  }
0x13c: {  	[tilespmem:s16], [sflag:$0x1] =	stream.indirect_vreg.gather [hbm4b:s1+s3], $0x80, v4, vm0, $0xb8;
	[tilespmem:$0x8080] =	vst v63  }
0x13d: {  	_ = 	snop  }
0x13e: {  	[tilespmem:s17], [sflag:$0x1] =	stream.indirect_vreg.gather [hbm4b:s1+s3], $0x80, v3, vm0, $0xb8;
	[tilespmem:$0x8080] =	vst v63  }
0x13f: {  	v3 =	vld [tilespmem:$0x20];
	_ =	sdelay $0x4  }
0x140: {  	v58 =	vshll.u32 v3, $0x1  }
0x141: {  	v3 =	vand.u32 $0x7, v3;
	v4 =	vand.u32 $0xFFFFFFF0, v58  }
0x142: {  	v3 =	vor.u32 v3, v4  }
0x143: {  	v4 =	vperm.xlane v3, v0;
	_ =	sdelay $0x1  }
0x144: {  	v3 =	vperm.xlane v3, v2;
	v4 =	vadd.s32 v1, v4;
	_ =	sdelay $0x1  }
0x145: {  	v3 =	vadd.s32 v1, v3;
	_ =	sdelay $0x2  }
0x146: {  	[tilespmem:s18], [sflag:$0x1] =	stream.indirect_vreg.gather [hbm4b:s1+s3], $0x80, v4, vm0, $0xb8;
	[tilespmem:$0x8080] =	vst v63  }
0x147: {  	_ = 	snop  }
0x148: {  	[tilespmem:s19], [sflag:$0x1] =	stream.indirect_vreg.gather [hbm4b:s1+s3], $0x80, v3, vm0, $0xb8;
	[tilespmem:$0x8080] =	vst v63  }
0x149: {  	v3 =	vld [tilespmem:$0x30];
	_ =	sdelay $0x4  }
0x14a: {  	v59 =	vshll.u32 v3, $0x1  }
0x14b: {  	v3 =	vand.u32 $0x7, v3;
	v4 =	vand.u32 $0xFFFFFFF0, v59  }
0x14c: {  	v3 =	vor.u32 v3, v4  }
0x14d: {  	v4 =	vperm.xlane v3, v0;
	_ =	sdelay $0x1  }
0x14e: {  	v3 =	vperm.xlane v3, v2;
	v4 =	vadd.s32 v1, v4;
	_ =	sdelay $0x1  }
0x14f: {  	v3 =	vadd.s32 v1, v3;
	_ =	sdelay $0x2  }
0x150: {  	[tilespmem:s20], [sflag:$0x1] =	stream.indirect_vreg.gather [hbm4b:s1+s3], $0x80, v4, vm0, $0xb8;
	[tilespmem:$0x8080] =	vst v63  }
0x151: {  	_ = 	snop  }
0x152: {  	[tilespmem:s21], [sflag:$0x1] =	stream.indirect_vreg.gather [hbm4b:s1+s3], $0x80, v3, vm0, $0xb8;
	[tilespmem:$0x8080] =	vst v63  }
0x153: {  	v3 =	vld [tilespmem:$0x40];
	_ =	sdelay $0x4  }
0x154: {  	v60 =	vshll.u32 v3, $0x1  }
0x155: {  	v3 =	vand.u32 $0x7, v3;
	v4 =	vand.u32 $0xFFFFFFF0, v60  }
0x156: {  	v3 =	vor.u32 v3, v4  }
0x157: {  	v4 =	vperm.xlane v3, v0;
	_ =	sdelay $0x1  }
0x158: {  	v3 =	vperm.xlane v3, v2;
	v4 =	vadd.s32 v1, v4;
	_ =	sdelay $0x1  }
0x159: {  	v3 =	vadd.s32 v1, v3;
	_ =	sdelay $0x2  }
0x15a: {  	[tilespmem:s22], [sflag:$0x1] =	stream.indirect_vreg.gather [hbm4b:s1+s3], $0x80, v4, vm0, $0xb8;
	[tilespmem:$0x8080] =	vst v63  }
0x15b: {  	_ = 	snop  }
0x15c: {  	[tilespmem:s23], [sflag:$0x1] =	stream.indirect_vreg.gather [hbm4b:s1+s3], $0x80, v3, vm0, $0xb8;
	[tilespmem:$0x8080] =	vst v63  }
0x15d: {  	v3 =	vld [tilespmem:$0x50];
	_ =	sdelay $0x4  }
0x15e: {  	v61 =	vshll.u32 v3, $0x1  }
0x15f: {  	v3 =	vand.u32 $0x7, v3;
	v4 =	vand.u32 $0xFFFFFFF0, v61  }
0x160: {  	v3 =	vor.u32 v3, v4  }
0x161: {  	v4 =	vperm.xlane v3, v0;
	_ =	sdelay $0x1  }
0x162: {  	v3 =	vperm.xlane v3, v2;
	v4 =	vadd.s32 v1, v4;
	_ =	sdelay $0x1  }
0x163: {  	v3 =	vadd.s32 v1, v3;
	_ =	sdelay $0x2  }
0x164: {  	[tilespmem:s24], [sflag:$0x1] =	stream.indirect_vreg.gather [hbm4b:s1+s3], $0x80, v4, vm0, $0xb8;
	[tilespmem:$0x8080] =	vst v63  }
0x165: {  	_ = 	snop  }
0x166: {  	[tilespmem:s25], [sflag:$0x1] =	stream.indirect_vreg.gather [hbm4b:s1+s3], $0x80, v3, vm0, $0xb8;
	[tilespmem:$0x8080] =	vst v63  }
0x167: {  	v3 =	vld [tilespmem:$0x60];
	_ =	sdelay $0x4  }
0x168: {  	v62 =	vshll.u32 v3, $0x1  }
0x169: {  	v3 =	vand.u32 $0x7, v3;
	v4 =	vand.u32 $0xFFFFFFF0, v62  }
0x16a: {  	v3 =	vor.u32 v3, v4  }
0x16b: {  	v4 =	vperm.xlane v3, v0;
	_ =	sdelay $0x1  }
0x16c: {  	v3 =	vperm.xlane v3, v2;
	v4 =	vadd.s32 v1, v4;
	_ =	sdelay $0x1  }
0x16d: {  	v3 =	vadd.s32 v1, v3;
	_ =	sdelay $0x2  }
0x16e: {  	[tilespmem:s26], [sflag:$0x1] =	stream.indirect_vreg.gather [hbm4b:s1+s3], $0x80, v4, vm0, $0xb8;
	[tilespmem:$0x8080] =	vst v63  }
0x16f: {  	_ = 	snop  }
0x170: {  	[tilespmem:s28], [sflag:$0x1] =	stream.indirect_vreg.gather [hbm4b:s1+s3], $0x80, v3, vm0, $0xb8;
	[tilespmem:$0x8080] =	vst v63  }
0x171: {  	v3 =	vld [tilespmem:$0x70];
	_ =	sdelay $0x4  }
0x172: {  	v63 =	vshll.u32 v3, $0x1  }
0x173: {  	v3 =	vand.u32 $0x7, v3;
	v4 =	vand.u32 $0xFFFFFFF0, v63  }
0x174: {  	v3 =	vor.u32 v3, v4  }
0x175: {  	v4 =	vperm.xlane v3, v0;
	_ =	sdelay $0x1  }
0x176: {  	v3 =	vperm.xlane v3, v2;
	v4 =	vadd.s32 v1, v4;
	_ =	sdelay $0x1  }
0x177: {  	v3 =	vadd.s32 v1, v3;
	_ =	sdelay $0x2  }
0x178: {  	[tilespmem:s29], [sflag:$0x1] =	stream.indirect_vreg.gather [hbm4b:s1+s3], $0x80, v4, vm0, $0xb8;
	[tilespmem:$0x8080] =	vst v63  }
0x179: {  	_ = 	snop  }
0x17a: {  	[tilespmem:s30], [sflag:$0x1] =	stream.indirect_vreg.gather [hbm4b:s1+s3], $0x80, v3, vm0, $0xb8;
	[tilespmem:$0x8080] =	vst v63  }
0x17b: {  	_ =	swait.ge [sflag:s31], $0x8000  }
0x17c: {  	p0 =	sne.s32 s12, $0x1;
	[sflag:s31] =	ssyncset.done $0x0  }
.Ltmp0:
0x17d: {  	[sflag:s31] =	ssyncadd.s32 $0xFFFF8000;
	(pc) =	sbr.rel @p0 .LBB2_1-.Ltmp0, $4  }
0x17e: {  	[hbm4b:s11+s3] =	stream.linear.scatter [tilespmem:s14], [sflag:$0x2], $0x8000, $0x38;
	[tilespmem:$0x8080] =	vst v63  }
0x17f: {  	_ =	swait.ge [sflag:s13], $0x8000  }
0x180: {  	[sflag:s13] =	ssyncset.done $0x0  }
0x181: {  	s12 =	sadd.s32 $0xFFFFFFFF, s12;
	[sflag:s13] =	ssyncadd.s32 $0xFFFF8000  }
0x182: {  	_ =	sfence.sel $0x180000  }
0x183: {  	[bflag:$0x0] =	sbarrier.arrive $0xFFFF  }
0x184: {  	p0 =	sne.s32 s2, $0x0;
	_ =	strace $0x90000047  }
0x185: {  	s0 =	sadd.s32 @!p0 $0x100000, s0;
	[bflag:$0x2] =	sbarrier.arrive $0xFFFF  }
0x186: {  	[sflag:s0] =	ssyncadd.tile.s32 @!p0 $0x1;
	_ =	shalt  }
.Lfunc_end2:
_tile_overlayer_lowered:
.L_overlay_start_2:
0x187: {  	(tag) =	ssettag $0x2  }
0x188: {  	s0 =	rddreg [dreg:$0x0];
	s2 =	stileid.u32  }
0x189: {  	s1 =	rddreg [dreg:$0x1];
	p0 =	sne.s32 s2, $0x0  }
0x18a: {  	s3 =	rddreg [dreg:$0x2];
	[bflag:$0x3] =	sbarrier.arrive $0xFFFF;
	s2 =	simm.s32 @!p0 $0x1C02  }
0x18b: {  	[timem:s3], [sflag:s2] =	dma.local @!p0 [hbm:s0], s1  }
0x18c: {  	s0 =	simm.s32 @!p0 $0x2  }
0x18d: {  	_ =	swait.ge @!p0 [sflag:s0], s1  }
0x18e: {  	s1 =	ssub.s32 @!p0 $0x0, s1;
	[sflag:s0] =	ssyncset.done @!p0 $0x0  }
0x18f: {  	[sflag:s0] =	ssyncadd.s32 @!p0 s1  }
0x190: {  	[bflag:$0x3] =	sbarrier.arrive $0xFFFF  }
0x191: {  	_ =	shalt  }

</sc_bundles>
